<compile_context>
chip_gen: v7x
topology: tpu7x:2x2x1
jax: 0.10.2.dev20260603
libtpu: 0.0.44.dev20260713+nightly
codegen_flags: <defaults>
</compile_context>

<pallas_src>
import functools

import jax
import jax.numpy as jnp
from jax import lax
from jax.experimental import pallas as pl
from jax.experimental.pallas import tpu as pltpu
from jax.experimental.pallas import tpu_sc as plsc

_DIM = 128
_B = 16384
_S = 50
_ROWS = _B * _S
_NW = 32
_BPW = _ROWS // _NW
_CHUNK = 200
_NCHUNK = _BPW // _CHUNK
_NBUF = 4
_K = 2

_mesh = plsc.VectorSubcoreMesh(core_axis_name="c", subcore_axis_name="s")


@functools.partial(
    pl.kernel,
    out_type=jax.ShapeDtypeStruct((_ROWS, _DIM), jnp.float32),
    mesh=_mesh,
    scratch_types=[
        pltpu.VMEM((_BPW,), jnp.int32),
        pltpu.VMEM((_NBUF, _CHUNK, _DIM), jnp.float32),
        [pltpu.SemaphoreType.DMA] * _NBUF,
        [pltpu.SemaphoreType.DMA] * _NBUF,
    ],
)
def _gather_kernel(idx_hbm, table_hbm, out_hbm, idx_v, rows_v, gsems, wsems):
    wid = lax.axis_index("s") * 2 + lax.axis_index("c")
    base = wid * _BPW
    pltpu.sync_copy(idx_hbm.at[pl.ds(base, _BPW)], idx_v)

    def _issue_g(g, b):
        pltpu.async_copy(
            table_hbm.at[idx_v.at[pl.ds(g * _CHUNK, _CHUNK)]],
            rows_v.at[b],
            gsems[b],
        )

    def _issue_w(g, b):
        pltpu.async_copy(
            rows_v.at[b],
            out_hbm.at[pl.ds(base + g * _CHUNK, _CHUNK)],
            wsems[b],
        )

    def _wait(sem, b):
        pltpu.make_async_copy(
            table_hbm.at[pl.ds(0, _CHUNK)], rows_v.at[b], sem
        ).wait()

    for g in range(_K):
        _issue_g(g, g)

    for g in range(_NBUF):
        b = g % _NBUF
        _wait(gsems[b], b)
        _issue_w(g, b)
        t = g + _K
        bt = t % _NBUF
        if t >= _NBUF:
            _wait(wsems[bt], bt)
        _issue_g(t, bt)

    @pl.loop(_NBUF, _NCHUNK - _NBUF, step=_NBUF)
    def _main(g0):
        for b in range(_NBUF):
            g = g0 + b
            _wait(gsems[b], b)
            _issue_w(g, b)
            bt = (b + _K) % _NBUF
            _wait(wsems[bt], bt)
            _issue_g(g + _K, bt)

    for g in range(_NCHUNK - _NBUF, _NCHUNK):
        b = g % _NBUF
        _wait(gsems[b], b)
        _issue_w(g, b)
        t = g + _K
        if t < _NCHUNK:
            bt = t % _NBUF
            _wait(wsems[bt], bt)
            _issue_g(t, bt)

    for b in range(_NBUF):
        _wait(wsems[b], b)


def kernel(rel_ids, emb_table):
    flat = jnp.swapaxes(rel_ids, 0, 1).reshape(-1).astype(jnp.int32)
    out = _gather_kernel(flat, emb_table)
    return out.reshape(_S, _B, _DIM).transpose(1, 0, 2)

# --- scband reference (transcript-rebuilt; emitter-appended) ---
"""Pipeline reference for scband-relation-embeddings-28252294873237 (READ-ONLY COPY).

The authoritative reference and input builder live on the scoring server;
editing this copy changes nothing except your own understanding.
"""

import jax, jax.numpy as jnp
import numpy as np

NUM_RELATIONS = 100000
DIM = 128

def setup_inputs(seed: int = 0) -> dict:
    key = jax.random.key(seed)
    k_idx, k_emb = jax.random.split(key)
    rel_ids = jax.random.randint(k_idx, (16384, 50), 0, NUM_RELATIONS, dtype=jnp.int64 if jax.config.jax_enable_x64 else jnp.int32)
    emb_table = jax.random.normal(k_emb, (NUM_RELATIONS, DIM), dtype=jnp.float32)
    return {"rel_ids": rel_ids, "emb_table": emb_table}

def reference(rel_ids, emb_table):
    # nn.Embedding forward: row gather from the embedding table
    return jnp.take(emb_table, rel_ids, axis=0)

if __name__ == "__main__":
    import jax
    _d = setup_inputs()
    print(jax.jit(kernel)(*tuple(_d.values())))

</pallas_src>

<mosaic_0001>
#map = affine_map<(d0, d1) -> (0)>
#map1 = affine_map<(d0, d1) -> (0, 0)>
module attributes {stable_mosaic.version = 14 : i64} {
  func.func @_gather_kernel(%arg0: i32, %arg1: i32, %arg2: memref<819200xi32, #tpu.memory_space<hbm>>, %arg3: memref<100000x128xf32, #tpu.memory_space<hbm>>, %arg4: memref<819200x128xf32, #tpu.memory_space<hbm>>, %arg5: memref<25600xi32, #tpu.memory_space<vmem>>, %arg6: memref<4x200x128xf32, #tpu.memory_space<vmem>>, %arg7: memref<!tpu.dma_semaphore, #tpu.memory_space<semaphore_mem>>, %arg8: memref<!tpu.dma_semaphore, #tpu.memory_space<semaphore_mem>>, %arg9: memref<!tpu.dma_semaphore, #tpu.memory_space<semaphore_mem>>, %arg10: memref<!tpu.dma_semaphore, #tpu.memory_space<semaphore_mem>>, %arg11: memref<!tpu.dma_semaphore, #tpu.memory_space<semaphore_mem>>, %arg12: memref<!tpu.dma_semaphore, #tpu.memory_space<semaphore_mem>>, %arg13: memref<!tpu.dma_semaphore, #tpu.memory_space<semaphore_mem>>, %arg14: memref<!tpu.dma_semaphore, #tpu.memory_space<semaphore_mem>>) attributes {dimension_semantics = [#tpu.dimension_semantics<core_parallel>, #tpu.dimension_semantics<subcore_parallel>], iteration_bounds = array<i64: 2, 16>, scalar_prefetch = 0 : i64, scratch_operands = 10 : i64, tpu.core_type = #tpu.core_type<sc_vector_subcore>, window_params = [{transform_indices = #map}, {transform_indices = #map1}, {transform_indices = #map1}]} {
    %mul3A = arith.constant 2 : i32
    %mul3A_0 = arith.muli %arg1, %mul3A : i32
    %add3A = arith.addi %mul3A_0, %arg0 : i32
    %mul3A_1 = arith.constant 25600 : i32
    %mul3A_2 = arith.muli %add3A, %mul3A_1 : i32
    "tpu.region"() ({
      %run_scoped3A = tpu.sem_alloc : memref<!tpu.dma_semaphore, #tpu.memory_space<semaphore_mem>>
      %dma_start3A_445 = tpu.memref_slice %arg2[%mul3A_2] : memref<819200xi32, #tpu.memory_space<hbm>> -> memref<25600xi32, #tpu.memory_space<hbm>>
      %dma_start3A_446 = tpu.memref_slice %arg2[%mul3A_2] : memref<819200xi32, #tpu.memory_space<hbm>> -> memref<25600xi32, #tpu.memory_space<hbm>>
      tpu.enqueue_dma source(%dma_start3A_446 : memref<25600xi32, #tpu.memory_space<hbm>>) target(%arg5 : memref<25600xi32, #tpu.memory_space<vmem>>) target_semaphore(%run_scoped3A : memref<!tpu.dma_semaphore, #tpu.memory_space<semaphore_mem>>)
      %dma_wait3A_447 = tpu.memref_slice %arg2[%mul3A_2] : memref<819200xi32, #tpu.memory_space<hbm>> -> memref<25600xi32, #tpu.memory_space<hbm>>
      %dma_wait3A_448 = tpu.memref_slice %arg2[%mul3A_2] : memref<819200xi32, #tpu.memory_space<hbm>> -> memref<25600xi32, #tpu.memory_space<hbm>>
      tpu.wait_dma2 semaphore(%run_scoped3A : memref<!tpu.dma_semaphore, #tpu.memory_space<semaphore_mem>>) src(%dma_wait3A_448 : memref<25600xi32, #tpu.memory_space<hbm>>) dst(%arg5 : memref<25600xi32, #tpu.memory_space<vmem>>)
      tpu.yield
    }) : () -> ()
    %dma_start3A = arith.constant 0 : i32
    %dma_start3A_3 = arith.constant 0 : i32
    %dma_start3A_4 = arith.constant 0 : i32
    %dma_start3A_5 = tpu.memref_slice %arg6[%dma_start3A, %dma_start3A_3, %dma_start3A_4] : memref<4x200x128xf32, #tpu.memory_space<vmem>> -> memref<1x200x128xf32, #tpu.memory_space<vmem>>
    %dma_start3A_6 = tpu.memref_squeeze %dma_start3A_5 : memref<1x200x128xf32, #tpu.memory_space<vmem>> -> memref<200x128xf32, #tpu.memory_space<vmem>>
    %dma_start3A_7 = arith.constant 0 : i32
    %dma_start3A_8 = tpu.memref_slice %arg5[%dma_start3A_7] : memref<25600xi32, #tpu.memory_space<vmem>> -> memref<200xi32, #tpu.memory_space<vmem>>
    %dma_start3A_9 = arith.constant 0 : i32
    %dma_start3A_10 = arith.constant 0 : i32
    %dma_start3A_11 = tpu.memref_slice %arg3[%dma_start3A_9, %dma_start3A_10] : memref<100000x128xf32, #tpu.memory_space<hbm>> -> memref<100000x128xf32, #tpu.memory_space<hbm>>
    tpu.enqueue_indirect_dma source(%dma_start3A_11 : memref<100000x128xf32, #tpu.memory_space<hbm>>) target(%dma_start3A_6 : memref<200x128xf32, #tpu.memory_space<vmem>>) offsets(%dma_start3A_8 : memref<200xi32, #tpu.memory_space<vmem>>) semaphore(%arg7 : memref<!tpu.dma_semaphore, #tpu.memory_space<semaphore_mem>>)
    %dma_start3A_12 = arith.constant 1 : i32
    %dma_start3A_13 = arith.constant 0 : i32
    %dma_start3A_14 = arith.constant 0 : i32
    %dma_start3A_15 = tpu.memref_slice %arg6[%dma_start3A_12, %dma_start3A_13, %dma_start3A_14] : memref<4x200x128xf32, #tpu.memory_space<vmem>> -> memref<1x200x128xf32, #tpu.memory_space<vmem>>
    %dma_start3A_16 = tpu.memref_squeeze %dma_start3A_15 : memref<1x200x128xf32, #tpu.memory_space<vmem>> -> memref<200x128xf32, #tpu.memory_space<vmem>>
    %dma_start3A_17 = arith.constant 200 : i32
    %dma_start3A_18 = tpu.memref_slice %arg5[%dma_start3A_17] : memref<25600xi32, #tpu.memory_space<vmem>> -> memref<200xi32, #tpu.memory_space<vmem>>
    %dma_start3A_19 = arith.constant 0 : i32
    %dma_start3A_20 = arith.constant 0 : i32
    %dma_start3A_21 = tpu.memref_slice %arg3[%dma_start3A_19, %dma_start3A_20] : memref<100000x128xf32, #tpu.memory_space<hbm>> -> memref<100000x128xf32, #tpu.memory_space<hbm>>
    tpu.enqueue_indirect_dma source(%dma_start3A_21 : memref<100000x128xf32, #tpu.memory_space<hbm>>) target(%dma_start3A_16 : memref<200x128xf32, #tpu.memory_space<vmem>>) offsets(%dma_start3A_18 : memref<200xi32, #tpu.memory_space<vmem>>) semaphore(%arg8 : memref<!tpu.dma_semaphore, #tpu.memory_space<semaphore_mem>>)
    %dma_wait3A = arith.constant 0 : i32
    %dma_wait3A_22 = arith.constant 0 : i32
    %dma_wait3A_23 = arith.constant 0 : i32
    %dma_wait3A_24 = tpu.memref_slice %arg6[%dma_wait3A, %dma_wait3A_22, %dma_wait3A_23] : memref<4x200x128xf32, #tpu.memory_space<vmem>> -> memref<1x200x128xf32, #tpu.memory_space<vmem>>
    %dma_wait3A_25 = tpu.memref_squeeze %dma_wait3A_24 : memref<1x200x128xf32, #tpu.memory_space<vmem>> -> memref<200x128xf32, #tpu.memory_space<vmem>>
    %dma_wait3A_26 = arith.constant 0 : i32
    %dma_wait3A_27 = arith.constant 0 : i32
    %dma_wait3A_28 = tpu.memref_slice %arg3[%dma_wait3A_26, %dma_wait3A_27] : memref<100000x128xf32, #tpu.memory_space<hbm>> -> memref<200x128xf32, #tpu.memory_space<hbm>>
    %dma_wait3A_29 = arith.constant 0 : i32
    %dma_wait3A_30 = arith.constant 0 : i32
    %dma_wait3A_31 = tpu.memref_slice %arg6[%dma_wait3A, %dma_wait3A_29, %dma_wait3A_30] : memref<4x200x128xf32, #tpu.memory_space<vmem>> -> memref<1x200x128xf32, #tpu.memory_space<vmem>>
    %dma_wait3A_32 = tpu.memref_squeeze %dma_wait3A_31 : memref<1x200x128xf32, #tpu.memory_space<vmem>> -> memref<200x128xf32, #tpu.memory_space<vmem>>
    %dma_wait3A_33 = arith.constant 0 : i32
    %dma_wait3A_34 = arith.constant 0 : i32
    %dma_wait3A_35 = tpu.memref_slice %arg3[%dma_wait3A_33, %dma_wait3A_34] : memref<100000x128xf32, #tpu.memory_space<hbm>> -> memref<200x128xf32, #tpu.memory_space<hbm>>
    tpu.wait_dma2 semaphore(%arg7 : memref<!tpu.dma_semaphore, #tpu.memory_space<semaphore_mem>>) src(%dma_wait3A_35 : memref<200x128xf32, #tpu.memory_space<hbm>>) dst(%dma_wait3A_32 : memref<200x128xf32, #tpu.memory_space<vmem>>)
    %add3A_36 = arith.constant 0 : i32
    %add3A_37 = arith.addi %mul3A_2, %add3A_36 : i32
    %dma_start3A_38 = arith.constant 0 : i32
    %dma_start3A_39 = arith.constant 0 : i32
    %dma_start3A_40 = arith.constant 0 : i32
    %dma_start3A_41 = tpu.memref_slice %arg6[%dma_start3A_38, %dma_start3A_39, %dma_start3A_40] : memref<4x200x128xf32, #tpu.memory_space<vmem>> -> memref<1x200x128xf32, #tpu.memory_space<vmem>>
    %dma_start3A_42 = tpu.memref_squeeze %dma_start3A_41 : memref<1x200x128xf32, #tpu.memory_space<vmem>> -> memref<200x128xf32, #tpu.memory_space<vmem>>
    %dma_start3A_43 = arith.constant 0 : i32
    %dma_start3A_44 = tpu.memref_slice %arg4[%add3A_37, %dma_start3A_43] : memref<819200x128xf32, #tpu.memory_space<hbm>> -> memref<200x128xf32, #tpu.memory_space<hbm>>
    %dma_start3A_45 = arith.constant 0 : i32
    %dma_start3A_46 = tpu.memref_slice %arg4[%add3A_37, %dma_start3A_45] : memref<819200x128xf32, #tpu.memory_space<hbm>> -> memref<200x128xf32, #tpu.memory_space<hbm>>
    %dma_start3A_47 = arith.constant 0 : i32
    %dma_start3A_48 = arith.constant 0 : i32
    %dma_start3A_49 = tpu.memref_slice %arg6[%dma_start3A_38, %dma_start3A_47, %dma_start3A_48] : memref<4x200x128xf32, #tpu.memory_space<vmem>> -> memref<1x200x128xf32, #tpu.memory_space<vmem>>
    %dma_start3A_50 = tpu.memref_squeeze %dma_start3A_49 : memref<1x200x128xf32, #tpu.memory_space<vmem>> -> memref<200x128xf32, #tpu.memory_space<vmem>>
    tpu.enqueue_dma source(%dma_start3A_50 : memref<200x128xf32, #tpu.memory_space<vmem>>) target(%dma_start3A_46 : memref<200x128xf32, #tpu.memory_space<hbm>>) target_semaphore(%arg11 : memref<!tpu.dma_semaphore, #tpu.memory_space<semaphore_mem>>)
    %dma_start3A_51 = arith.constant 2 : i32
    %dma_start3A_52 = arith.constant 0 : i32
    %dma_start3A_53 = arith.constant 0 : i32
    %dma_start3A_54 = tpu.memref_slice %arg6[%dma_start3A_51, %dma_start3A_52, %dma_start3A_53] : memref<4x200x128xf32, #tpu.memory_space<vmem>> -> memref<1x200x128xf32, #tpu.memory_space<vmem>>
    %dma_start3A_55 = tpu.memref_squeeze %dma_start3A_54 : memref<1x200x128xf32, #tpu.memory_space<vmem>> -> memref<200x128xf32, #tpu.memory_space<vmem>>
    %dma_start3A_56 = arith.constant 400 : i32
    %dma_start3A_57 = tpu.memref_slice %arg5[%dma_start3A_56] : memref<25600xi32, #tpu.memory_space<vmem>> -> memref<200xi32, #tpu.memory_space<vmem>>
    %dma_start3A_58 = arith.constant 0 : i32
    %dma_start3A_59 = arith.constant 0 : i32
    %dma_start3A_60 = tpu.memref_slice %arg3[%dma_start3A_58, %dma_start3A_59] : memref<100000x128xf32, #tpu.memory_space<hbm>> -> memref<100000x128xf32, #tpu.memory_space<hbm>>
    tpu.enqueue_indirect_dma source(%dma_start3A_60 : memref<100000x128xf32, #tpu.memory_space<hbm>>) target(%dma_start3A_55 : memref<200x128xf32, #tpu.memory_space<vmem>>) offsets(%dma_start3A_57 : memref<200xi32, #tpu.memory_space<vmem>>) semaphore(%arg9 : memref<!tpu.dma_semaphore, #tpu.memory_space<semaphore_mem>>)
    %dma_wait3A_61 = arith.constant 1 : i32
    %dma_wait3A_62 = arith.constant 0 : i32
    %dma_wait3A_63 = arith.constant 0 : i32
    %dma_wait3A_64 = tpu.memref_slice %arg6[%dma_wait3A_61, %dma_wait3A_62, %dma_wait3A_63] : memref<4x200x128xf32, #tpu.memory_space<vmem>> -> memref<1x200x128xf32, #tpu.memory_space<vmem>>
    %dma_wait3A_65 = tpu.memref_squeeze %dma_wait3A_64 : memref<1x200x128xf32, #tpu.memory_space<vmem>> -> memref<200x128xf32, #tpu.memory_space<vmem>>
    %dma_wait3A_66 = arith.constant 0 : i32
    %dma_wait3A_67 = arith.constant 0 : i32
    %dma_wait3A_68 = tpu.memref_slice %arg3[%dma_wait3A_66, %dma_wait3A_67] : memref<100000x128xf32, #tpu.memory_space<hbm>> -> memref<200x128xf32, #tpu.memory_space<hbm>>
    %dma_wait3A_69 = arith.constant 0 : i32
    %dma_wait3A_70 = arith.constant 0 : i32
    %dma_wait3A_71 = tpu.memref_slice %arg6[%dma_wait3A_61, %dma_wait3A_69, %dma_wait3A_70] : memref<4x200x128xf32, #tpu.memory_space<vmem>> -> memref<1x200x128xf32, #tpu.memory_space<vmem>>
    %dma_wait3A_72 = tpu.memref_squeeze %dma_wait3A_71 : memref<1x200x128xf32, #tpu.memory_space<vmem>> -> memref<200x128xf32, #tpu.memory_space<vmem>>
    %dma_wait3A_73 = arith.constant 0 : i32
    %dma_wait3A_74 = arith.constant 0 : i32
    %dma_wait3A_75 = tpu.memref_slice %arg3[%dma_wait3A_73, %dma_wait3A_74] : memref<100000x128xf32, #tpu.memory_space<hbm>> -> memref<200x128xf32, #tpu.memory_space<hbm>>
    tpu.wait_dma2 semaphore(%arg8 : memref<!tpu.dma_semaphore, #tpu.memory_space<semaphore_mem>>) src(%dma_wait3A_75 : memref<200x128xf32, #tpu.memory_space<hbm>>) dst(%dma_wait3A_72 : memref<200x128xf32, #tpu.memory_space<vmem>>)
    %add3A_76 = arith.constant 200 : i32
    %add3A_77 = arith.addi %mul3A_2, %add3A_76 : i32
    %dma_start3A_78 = arith.constant 1 : i32
    %dma_start3A_79 = arith.constant 0 : i32
    %dma_start3A_80 = arith.constant 0 : i32
    %dma_start3A_81 = tpu.memref_slice %arg6[%dma_start3A_78, %dma_start3A_79, %dma_start3A_80] : memref<4x200x128xf32, #tpu.memory_space<vmem>> -> memref<1x200x128xf32, #tpu.memory_space<vmem>>
    %dma_start3A_82 = tpu.memref_squeeze %dma_start3A_81 : memref<1x200x128xf32, #tpu.memory_space<vmem>> -> memref<200x128xf32, #tpu.memory_space<vmem>>
    %dma_start3A_83 = arith.constant 0 : i32
    %dma_start3A_84 = tpu.memref_slice %arg4[%add3A_77, %dma_start3A_83] : memref<819200x128xf32, #tpu.memory_space<hbm>> -> memref<200x128xf32, #tpu.memory_space<hbm>>
    %dma_start3A_85 = arith.constant 0 : i32
    %dma_start3A_86 = tpu.memref_slice %arg4[%add3A_77, %dma_start3A_85] : memref<819200x128xf32, #tpu.memory_space<hbm>> -> memref<200x128xf32, #tpu.memory_space<hbm>>
    %dma_start3A_87 = arith.constant 0 : i32
    %dma_start3A_88 = arith.constant 0 : i32
    %dma_start3A_89 = tpu.memref_slice %arg6[%dma_start3A_78, %dma_start3A_87, %dma_start3A_88] : memref<4x200x128xf32, #tpu.memory_space<vmem>> -> memref<1x200x128xf32, #tpu.memory_space<vmem>>
    %dma_start3A_90 = tpu.memref_squeeze %dma_start3A_89 : memref<1x200x128xf32, #tpu.memory_space<vmem>> -> memref<200x128xf32, #tpu.memory_space<vmem>>
    tpu.enqueue_dma source(%dma_start3A_90 : memref<200x128xf32, #tpu.memory_space<vmem>>) target(%dma_start3A_86 : memref<200x128xf32, #tpu.memory_space<hbm>>) target_semaphore(%arg12 : memref<!tpu.dma_semaphore, #tpu.memory_space<semaphore_mem>>)
    %dma_start3A_91 = arith.constant 3 : i32
    %dma_start3A_92 = arith.constant 0 : i32
    %dma_start3A_93 = arith.constant 0 : i32
    %dma_start3A_94 = tpu.memref_slice %arg6[%dma_start3A_91, %dma_start3A_92, %dma_start3A_93] : memref<4x200x128xf32, #tpu.memory_space<vmem>> -> memref<1x200x128xf32, #tpu.memory_space<vmem>>
    %dma_start3A_95 = tpu.memref_squeeze %dma_start3A_94 : memref<1x200x128xf32, #tpu.memory_space<vmem>> -> memref<200x128xf32, #tpu.memory_space<vmem>>
    %dma_start3A_96 = arith.constant 600 : i32
    %dma_start3A_97 = tpu.memref_slice %arg5[%dma_start3A_96] : memref<25600xi32, #tpu.memory_space<vmem>> -> memref<200xi32, #tpu.memory_space<vmem>>
    %dma_start3A_98 = arith.constant 0 : i32
    %dma_start3A_99 = arith.constant 0 : i32
    %dma_start3A_100 = tpu.memref_slice %arg3[%dma_start3A_98, %dma_start3A_99] : memref<100000x128xf32, #tpu.memory_space<hbm>> -> memref<100000x128xf32, #tpu.memory_space<hbm>>
    tpu.enqueue_indirect_dma source(%dma_start3A_100 : memref<100000x128xf32, #tpu.memory_space<hbm>>) target(%dma_start3A_95 : memref<200x128xf32, #tpu.memory_space<vmem>>) offsets(%dma_start3A_97 : memref<200xi32, #tpu.memory_space<vmem>>) semaphore(%arg10 : memref<!tpu.dma_semaphore, #tpu.memory_space<semaphore_mem>>)
    %dma_wait3A_101 = arith.constant 2 : i32
    %dma_wait3A_102 = arith.constant 0 : i32
    %dma_wait3A_103 = arith.constant 0 : i32
    %dma_wait3A_104 = tpu.memref_slice %arg6[%dma_wait3A_101, %dma_wait3A_102, %dma_wait3A_103] : memref<4x200x128xf32, #tpu.memory_space<vmem>> -> memref<1x200x128xf32, #tpu.memory_space<vmem>>
    %dma_wait3A_105 = tpu.memref_squeeze %dma_wait3A_104 : memref<1x200x128xf32, #tpu.memory_space<vmem>> -> memref<200x128xf32, #tpu.memory_space<vmem>>
    %dma_wait3A_106 = arith.constant 0 : i32
    %dma_wait3A_107 = arith.constant 0 : i32
    %dma_wait3A_108 = tpu.memref_slice %arg3[%dma_wait3A_106, %dma_wait3A_107] : memref<100000x128xf32, #tpu.memory_space<hbm>> -> memref<200x128xf32, #tpu.memory_space<hbm>>
    %dma_wait3A_109 = arith.constant 0 : i32
    %dma_wait3A_110 = arith.constant 0 : i32
    %dma_wait3A_111 = tpu.memref_slice %arg6[%dma_wait3A_101, %dma_wait3A_109, %dma_wait3A_110] : memref<4x200x128xf32, #tpu.memory_space<vmem>> -> memref<1x200x128xf32, #tpu.memory_space<vmem>>
    %dma_wait3A_112 = tpu.memref_squeeze %dma_wait3A_111 : memref<1x200x128xf32, #tpu.memory_space<vmem>> -> memref<200x128xf32, #tpu.memory_space<vmem>>
    %dma_wait3A_113 = arith.constant 0 : i32
    %dma_wait3A_114 = arith.constant 0 : i32
    %dma_wait3A_115 = tpu.memref_slice %arg3[%dma_wait3A_113, %dma_wait3A_114] : memref<100000x128xf32, #tpu.memory_space<hbm>> -> memref<200x128xf32, #tpu.memory_space<hbm>>
    tpu.wait_dma2 semaphore(%arg9 : memref<!tpu.dma_semaphore, #tpu.memory_space<semaphore_mem>>) src(%dma_wait3A_115 : memref<200x128xf32, #tpu.memory_space<hbm>>) dst(%dma_wait3A_112 : memref<200x128xf32, #tpu.memory_space<vmem>>)
    %add3A_116 = arith.constant 400 : i32
    %add3A_117 = arith.addi %mul3A_2, %add3A_116 : i32
    %dma_start3A_118 = arith.constant 2 : i32
    %dma_start3A_119 = arith.constant 0 : i32
    %dma_start3A_120 = arith.constant 0 : i32
    %dma_start3A_121 = tpu.memref_slice %arg6[%dma_start3A_118, %dma_start3A_119, %dma_start3A_120] : memref<4x200x128xf32, #tpu.memory_space<vmem>> -> memref<1x200x128xf32, #tpu.memory_space<vmem>>
    %dma_start3A_122 = tpu.memref_squeeze %dma_start3A_121 : memref<1x200x128xf32, #tpu.memory_space<vmem>> -> memref<200x128xf32, #tpu.memory_space<vmem>>
    %dma_start3A_123 = arith.constant 0 : i32
    %dma_start3A_124 = tpu.memref_slice %arg4[%add3A_117, %dma_start3A_123] : memref<819200x128xf32, #tpu.memory_space<hbm>> -> memref<200x128xf32, #tpu.memory_space<hbm>>
    %dma_start3A_125 = arith.constant 0 : i32
    %dma_start3A_126 = tpu.memref_slice %arg4[%add3A_117, %dma_start3A_125] : memref<819200x128xf32, #tpu.memory_space<hbm>> -> memref<200x128xf32, #tpu.memory_space<hbm>>
    %dma_start3A_127 = arith.constant 0 : i32
    %dma_start3A_128 = arith.constant 0 : i32
    %dma_start3A_129 = tpu.memref_slice %arg6[%dma_start3A_118, %dma_start3A_127, %dma_start3A_128] : memref<4x200x128xf32, #tpu.memory_space<vmem>> -> memref<1x200x128xf32, #tpu.memory_space<vmem>>
    %dma_start3A_130 = tpu.memref_squeeze %dma_start3A_129 : memref<1x200x128xf32, #tpu.memory_space<vmem>> -> memref<200x128xf32, #tpu.memory_space<vmem>>
    tpu.enqueue_dma source(%dma_start3A_130 : memref<200x128xf32, #tpu.memory_space<vmem>>) target(%dma_start3A_126 : memref<200x128xf32, #tpu.memory_space<hbm>>) target_semaphore(%arg13 : memref<!tpu.dma_semaphore, #tpu.memory_space<semaphore_mem>>)
    %dma_wait3A_131 = arith.constant 0 : i32
    %dma_wait3A_132 = arith.constant 0 : i32
    %dma_wait3A_133 = arith.constant 0 : i32
    %dma_wait3A_134 = tpu.memref_slice %arg6[%dma_wait3A_131, %dma_wait3A_132, %dma_wait3A_133] : memref<4x200x128xf32, #tpu.memory_space<vmem>> -> memref<1x200x128xf32, #tpu.memory_space<vmem>>
    %dma_wait3A_135 = tpu.memref_squeeze %dma_wait3A_134 : memref<1x200x128xf32, #tpu.memory_space<vmem>> -> memref<200x128xf32, #tpu.memory_space<vmem>>
    %dma_wait3A_136 = arith.constant 0 : i32
    %dma_wait3A_137 = arith.constant 0 : i32
    %dma_wait3A_138 = tpu.memref_slice %arg3[%dma_wait3A_136, %dma_wait3A_137] : memref<100000x128xf32, #tpu.memory_space<hbm>> -> memref<200x128xf32, #tpu.memory_space<hbm>>
    %dma_wait3A_139 = arith.constant 0 : i32
    %dma_wait3A_140 = arith.constant 0 : i32
    %dma_wait3A_141 = tpu.memref_slice %arg6[%dma_wait3A_131, %dma_wait3A_139, %dma_wait3A_140] : memref<4x200x128xf32, #tpu.memory_space<vmem>> -> memref<1x200x128xf32, #tpu.memory_space<vmem>>
    %dma_wait3A_142 = tpu.memref_squeeze %dma_wait3A_141 : memref<1x200x128xf32, #tpu.memory_space<vmem>> -> memref<200x128xf32, #tpu.memory_space<vmem>>
    %dma_wait3A_143 = arith.constant 0 : i32
    %dma_wait3A_144 = arith.constant 0 : i32
    %dma_wait3A_145 = tpu.memref_slice %arg3[%dma_wait3A_143, %dma_wait3A_144] : memref<100000x128xf32, #tpu.memory_space<hbm>> -> memref<200x128xf32, #tpu.memory_space<hbm>>
    tpu.wait_dma2 semaphore(%arg11 : memref<!tpu.dma_semaphore, #tpu.memory_space<semaphore_mem>>) src(%dma_wait3A_145 : memref<200x128xf32, #tpu.memory_space<hbm>>) dst(%dma_wait3A_142 : memref<200x128xf32, #tpu.memory_space<vmem>>)
    %dma_start3A_146 = arith.constant 0 : i32
    %dma_start3A_147 = arith.constant 0 : i32
    %dma_start3A_148 = arith.constant 0 : i32
    %dma_start3A_149 = tpu.memref_slice %arg6[%dma_start3A_146, %dma_start3A_147, %dma_start3A_148] : memref<4x200x128xf32, #tpu.memory_space<vmem>> -> memref<1x200x128xf32, #tpu.memory_space<vmem>>
    %dma_start3A_150 = tpu.memref_squeeze %dma_start3A_149 : memref<1x200x128xf32, #tpu.memory_space<vmem>> -> memref<200x128xf32, #tpu.memory_space<vmem>>
    %dma_start3A_151 = arith.constant 800 : i32
    %dma_start3A_152 = tpu.memref_slice %arg5[%dma_start3A_151] : memref<25600xi32, #tpu.memory_space<vmem>> -> memref<200xi32, #tpu.memory_space<vmem>>
    %dma_start3A_153 = arith.constant 0 : i32
    %dma_start3A_154 = arith.constant 0 : i32
    %dma_start3A_155 = tpu.memref_slice %arg3[%dma_start3A_153, %dma_start3A_154] : memref<100000x128xf32, #tpu.memory_space<hbm>> -> memref<100000x128xf32, #tpu.memory_space<hbm>>
    tpu.enqueue_indirect_dma source(%dma_start3A_155 : memref<100000x128xf32, #tpu.memory_space<hbm>>) target(%dma_start3A_150 : memref<200x128xf32, #tpu.memory_space<vmem>>) offsets(%dma_start3A_152 : memref<200xi32, #tpu.memory_space<vmem>>) semaphore(%arg7 : memref<!tpu.dma_semaphore, #tpu.memory_space<semaphore_mem>>)
    %dma_wait3A_156 = arith.constant 3 : i32
    %dma_wait3A_157 = arith.constant 0 : i32
    %dma_wait3A_158 = arith.constant 0 : i32
    %dma_wait3A_159 = tpu.memref_slice %arg6[%dma_wait3A_156, %dma_wait3A_157, %dma_wait3A_158] : memref<4x200x128xf32, #tpu.memory_space<vmem>> -> memref<1x200x128xf32, #tpu.memory_space<vmem>>
    %dma_wait3A_160 = tpu.memref_squeeze %dma_wait3A_159 : memref<1x200x128xf32, #tpu.memory_space<vmem>> -> memref<200x128xf32, #tpu.memory_space<vmem>>
    %dma_wait3A_161 = arith.constant 0 : i32
    %dma_wait3A_162 = arith.constant 0 : i32
    %dma_wait3A_163 = tpu.memref_slice %arg3[%dma_wait3A_161, %dma_wait3A_162] : memref<100000x128xf32, #tpu.memory_space<hbm>> -> memref<200x128xf32, #tpu.memory_space<hbm>>
    %dma_wait3A_164 = arith.constant 0 : i32
    %dma_wait3A_165 = arith.constant 0 : i32
    %dma_wait3A_166 = tpu.memref_slice %arg6[%dma_wait3A_156, %dma_wait3A_164, %dma_wait3A_165] : memref<4x200x128xf32, #tpu.memory_space<vmem>> -> memref<1x200x128xf32, #tpu.memory_space<vmem>>
    %dma_wait3A_167 = tpu.memref_squeeze %dma_wait3A_166 : memref<1x200x128xf32, #tpu.memory_space<vmem>> -> memref<200x128xf32, #tpu.memory_space<vmem>>
    %dma_wait3A_168 = arith.constant 0 : i32
    %dma_wait3A_169 = arith.constant 0 : i32
    %dma_wait3A_170 = tpu.memref_slice %arg3[%dma_wait3A_168, %dma_wait3A_169] : memref<100000x128xf32, #tpu.memory_space<hbm>> -> memref<200x128xf32, #tpu.memory_space<hbm>>
    tpu.wait_dma2 semaphore(%arg10 : memref<!tpu.dma_semaphore, #tpu.memory_space<semaphore_mem>>) src(%dma_wait3A_170 : memref<200x128xf32, #tpu.memory_space<hbm>>) dst(%dma_wait3A_167 : memref<200x128xf32, #tpu.memory_space<vmem>>)
    %add3A_171 = arith.constant 600 : i32
    %add3A_172 = arith.addi %mul3A_2, %add3A_171 : i32
    %dma_start3A_173 = arith.constant 3 : i32
    %dma_start3A_174 = arith.constant 0 : i32
    %dma_start3A_175 = arith.constant 0 : i32
    %dma_start3A_176 = tpu.memref_slice %arg6[%dma_start3A_173, %dma_start3A_174, %dma_start3A_175] : memref<4x200x128xf32, #tpu.memory_space<vmem>> -> memref<1x200x128xf32, #tpu.memory_space<vmem>>
    %dma_start3A_177 = tpu.memref_squeeze %dma_start3A_176 : memref<1x200x128xf32, #tpu.memory_space<vmem>> -> memref<200x128xf32, #tpu.memory_space<vmem>>
    %dma_start3A_178 = arith.constant 0 : i32
    %dma_start3A_179 = tpu.memref_slice %arg4[%add3A_172, %dma_start3A_178] : memref<819200x128xf32, #tpu.memory_space<hbm>> -> memref<200x128xf32, #tpu.memory_space<hbm>>
    %dma_start3A_180 = arith.constant 0 : i32
    %dma_start3A_181 = tpu.memref_slice %arg4[%add3A_172, %dma_start3A_180] : memref<819200x128xf32, #tpu.memory_space<hbm>> -> memref<200x128xf32, #tpu.memory_space<hbm>>
    %dma_start3A_182 = arith.constant 0 : i32
    %dma_start3A_183 = arith.constant 0 : i32
    %dma_start3A_184 = tpu.memref_slice %arg6[%dma_start3A_173, %dma_start3A_182, %dma_start3A_183] : memref<4x200x128xf32, #tpu.memory_space<vmem>> -> memref<1x200x128xf32, #tpu.memory_space<vmem>>
    %dma_start3A_185 = tpu.memref_squeeze %dma_start3A_184 : memref<1x200x128xf32, #tpu.memory_space<vmem>> -> memref<200x128xf32, #tpu.memory_space<vmem>>
    tpu.enqueue_dma source(%dma_start3A_185 : memref<200x128xf32, #tpu.memory_space<vmem>>) target(%dma_start3A_181 : memref<200x128xf32, #tpu.memory_space<hbm>>) target_semaphore(%arg14 : memref<!tpu.dma_semaphore, #tpu.memory_space<semaphore_mem>>)
    %dma_wait3A_186 = arith.constant 1 : i32
    %dma_wait3A_187 = arith.constant 0 : i32
    %dma_wait3A_188 = arith.constant 0 : i32
    %dma_wait3A_189 = tpu.memref_slice %arg6[%dma_wait3A_186, %dma_wait3A_187, %dma_wait3A_188] : memref<4x200x128xf32, #tpu.memory_space<vmem>> -> memref<1x200x128xf32, #tpu.memory_space<vmem>>
    %dma_wait3A_190 = tpu.memref_squeeze %dma_wait3A_189 : memref<1x200x128xf32, #tpu.memory_space<vmem>> -> memref<200x128xf32, #tpu.memory_space<vmem>>
    %dma_wait3A_191 = arith.constant 0 : i32
    %dma_wait3A_192 = arith.constant 0 : i32
    %dma_wait3A_193 = tpu.memref_slice %arg3[%dma_wait3A_191, %dma_wait3A_192] : memref<100000x128xf32, #tpu.memory_space<hbm>> -> memref<200x128xf32, #tpu.memory_space<hbm>>
    %dma_wait3A_194 = arith.constant 0 : i32
    %dma_wait3A_195 = arith.constant 0 : i32
    %dma_wait3A_196 = tpu.memref_slice %arg6[%dma_wait3A_186, %dma_wait3A_194, %dma_wait3A_195] : memref<4x200x128xf32, #tpu.memory_space<vmem>> -> memref<1x200x128xf32, #tpu.memory_space<vmem>>
    %dma_wait3A_197 = tpu.memref_squeeze %dma_wait3A_196 : memref<1x200x128xf32, #tpu.memory_space<vmem>> -> memref<200x128xf32, #tpu.memory_space<vmem>>
    %dma_wait3A_198 = arith.constant 0 : i32
    %dma_wait3A_199 = arith.constant 0 : i32
    %dma_wait3A_200 = tpu.memref_slice %arg3[%dma_wait3A_198, %dma_wait3A_199] : memref<100000x128xf32, #tpu.memory_space<hbm>> -> memref<200x128xf32, #tpu.memory_space<hbm>>
    tpu.wait_dma2 semaphore(%arg12 : memref<!tpu.dma_semaphore, #tpu.memory_space<semaphore_mem>>) src(%dma_wait3A_200 : memref<200x128xf32, #tpu.memory_space<hbm>>) dst(%dma_wait3A_197 : memref<200x128xf32, #tpu.memory_space<vmem>>)
    %dma_start3A_201 = arith.constant 1 : i32
    %dma_start3A_202 = arith.constant 0 : i32
    %dma_start3A_203 = arith.constant 0 : i32
    %dma_start3A_204 = tpu.memref_slice %arg6[%dma_start3A_201, %dma_start3A_202, %dma_start3A_203] : memref<4x200x128xf32, #tpu.memory_space<vmem>> -> memref<1x200x128xf32, #tpu.memory_space<vmem>>
    %dma_start3A_205 = tpu.memref_squeeze %dma_start3A_204 : memref<1x200x128xf32, #tpu.memory_space<vmem>> -> memref<200x128xf32, #tpu.memory_space<vmem>>
    %dma_start3A_206 = arith.constant 1000 : i32
    %dma_start3A_207 = tpu.memref_slice %arg5[%dma_start3A_206] : memref<25600xi32, #tpu.memory_space<vmem>> -> memref<200xi32, #tpu.memory_space<vmem>>
    %dma_start3A_208 = arith.constant 0 : i32
    %dma_start3A_209 = arith.constant 0 : i32
    %dma_start3A_210 = tpu.memref_slice %arg3[%dma_start3A_208, %dma_start3A_209] : memref<100000x128xf32, #tpu.memory_space<hbm>> -> memref<100000x128xf32, #tpu.memory_space<hbm>>
    tpu.enqueue_indirect_dma source(%dma_start3A_210 : memref<100000x128xf32, #tpu.memory_space<hbm>>) target(%dma_start3A_205 : memref<200x128xf32, #tpu.memory_space<vmem>>) offsets(%dma_start3A_207 : memref<200xi32, #tpu.memory_space<vmem>>) semaphore(%arg8 : memref<!tpu.dma_semaphore, #tpu.memory_space<semaphore_mem>>)
    %scan3A = arith.constant 0 : i32
    %scan3A_211 = arith.constant 30 : i32
    %scan3A_212 = arith.addi %scan3A, %scan3A_211 : i32
    %scan3A_213 = arith.constant 1 : i32
    scf.for %scan3A_445 = %scan3A to %scan3A_212 step %scan3A_213  : i32 {
      %mul3A_446 = arith.constant 4 : i32
      %mul3A_447 = arith.muli %scan3A_445, %mul3A_446 : i32
      %add3A_448 = arith.constant 4 : i32
      %add3A_449 = arith.addi %add3A_448, %mul3A_447 : i32
      %add3A_450 = arith.constant 0 : i32
      %add3A_451 = arith.addi %add3A_449, %add3A_450 : i32
      %dma_wait3A_452 = arith.constant 0 : i32
      %dma_wait3A_453 = arith.constant 0 : i32
      %dma_wait3A_454 = arith.constant 0 : i32
      %dma_wait3A_455 = tpu.memref_slice %arg6[%dma_wait3A_452, %dma_wait3A_453, %dma_wait3A_454] : memref<4x200x128xf32, #tpu.memory_space<vmem>> -> memref<1x200x128xf32, #tpu.memory_space<vmem>>
      %dma_wait3A_456 = tpu.memref_squeeze %dma_wait3A_455 : memref<1x200x128xf32, #tpu.memory_space<vmem>> -> memref<200x128xf32, #tpu.memory_space<vmem>>
      %dma_wait3A_457 = arith.constant 0 : i32
      %dma_wait3A_458 = arith.constant 0 : i32
      %dma_wait3A_459 = tpu.memref_slice %arg3[%dma_wait3A_457, %dma_wait3A_458] : memref<100000x128xf32, #tpu.memory_space<hbm>> -> memref<200x128xf32, #tpu.memory_space<hbm>>
      %dma_wait3A_460 = arith.constant 0 : i32
      %dma_wait3A_461 = arith.constant 0 : i32
      %dma_wait3A_462 = tpu.memref_slice %arg6[%dma_wait3A_452, %dma_wait3A_460, %dma_wait3A_461] : memref<4x200x128xf32, #tpu.memory_space<vmem>> -> memref<1x200x128xf32, #tpu.memory_space<vmem>>
      %dma_wait3A_463 = tpu.memref_squeeze %dma_wait3A_462 : memref<1x200x128xf32, #tpu.memory_space<vmem>> -> memref<200x128xf32, #tpu.memory_space<vmem>>
      %dma_wait3A_464 = arith.constant 0 : i32
      %dma_wait3A_465 = arith.constant 0 : i32
      %dma_wait3A_466 = tpu.memref_slice %arg3[%dma_wait3A_464, %dma_wait3A_465] : memref<100000x128xf32, #tpu.memory_space<hbm>> -> memref<200x128xf32, #tpu.memory_space<hbm>>
      tpu.wait_dma2 semaphore(%arg7 : memref<!tpu.dma_semaphore, #tpu.memory_space<semaphore_mem>>) src(%dma_wait3A_466 : memref<200x128xf32, #tpu.memory_space<hbm>>) dst(%dma_wait3A_463 : memref<200x128xf32, #tpu.memory_space<vmem>>)
      %mul3A_467 = arith.constant 200 : i32
      %mul3A_468 = arith.muli %add3A_451, %mul3A_467 : i32
      %add3A_469 = arith.addi %mul3A_2, %mul3A_468 : i32
      %dma_start3A_470 = arith.constant 0 : i32
      %dma_start3A_471 = arith.constant 0 : i32
      %dma_start3A_472 = arith.constant 0 : i32
      %dma_start3A_473 = tpu.memref_slice %arg6[%dma_start3A_470, %dma_start3A_471, %dma_start3A_472] : memref<4x200x128xf32, #tpu.memory_space<vmem>> -> memref<1x200x128xf32, #tpu.memory_space<vmem>>
      %dma_start3A_474 = tpu.memref_squeeze %dma_start3A_473 : memref<1x200x128xf32, #tpu.memory_space<vmem>> -> memref<200x128xf32, #tpu.memory_space<vmem>>
      %dma_start3A_475 = arith.constant 0 : i32
      %dma_start3A_476 = tpu.memref_slice %arg4[%add3A_469, %dma_start3A_475] : memref<819200x128xf32, #tpu.memory_space<hbm>> -> memref<200x128xf32, #tpu.memory_space<hbm>>
      %dma_start3A_477 = arith.constant 0 : i32
      %dma_start3A_478 = tpu.memref_slice %arg4[%add3A_469, %dma_start3A_477] : memref<819200x128xf32, #tpu.memory_space<hbm>> -> memref<200x128xf32, #tpu.memory_space<hbm>>
      %dma_start3A_479 = arith.constant 0 : i32
      %dma_start3A_480 = arith.constant 0 : i32
      %dma_start3A_481 = tpu.memref_slice %arg6[%dma_start3A_470, %dma_start3A_479, %dma_start3A_480] : memref<4x200x128xf32, #tpu.memory_space<vmem>> -> memref<1x200x128xf32, #tpu.memory_space<vmem>>
      %dma_start3A_482 = tpu.memref_squeeze %dma_start3A_481 : memref<1x200x128xf32, #tpu.memory_space<vmem>> -> memref<200x128xf32, #tpu.memory_space<vmem>>
      tpu.enqueue_dma source(%dma_start3A_482 : memref<200x128xf32, #tpu.memory_space<vmem>>) target(%dma_start3A_478 : memref<200x128xf32, #tpu.memory_space<hbm>>) target_semaphore(%arg11 : memref<!tpu.dma_semaphore, #tpu.memory_space<semaphore_mem>>)
      %dma_wait3A_483 = arith.constant 2 : i32
      %dma_wait3A_484 = arith.constant 0 : i32
      %dma_wait3A_485 = arith.constant 0 : i32
      %dma_wait3A_486 = tpu.memref_slice %arg6[%dma_wait3A_483, %dma_wait3A_484, %dma_wait3A_485] : memref<4x200x128xf32, #tpu.memory_space<vmem>> -> memref<1x200x128xf32, #tpu.memory_space<vmem>>
      %dma_wait3A_487 = tpu.memref_squeeze %dma_wait3A_486 : memref<1x200x128xf32, #tpu.memory_space<vmem>> -> memref<200x128xf32, #tpu.memory_space<vmem>>
      %dma_wait3A_488 = arith.constant 0 : i32
      %dma_wait3A_489 = arith.constant 0 : i32
      %dma_wait3A_490 = tpu.memref_slice %arg3[%dma_wait3A_488, %dma_wait3A_489] : memref<100000x128xf32, #tpu.memory_space<hbm>> -> memref<200x128xf32, #tpu.memory_space<hbm>>
      %dma_wait3A_491 = arith.constant 0 : i32
      %dma_wait3A_492 = arith.constant 0 : i32
      %dma_wait3A_493 = tpu.memref_slice %arg6[%dma_wait3A_483, %dma_wait3A_491, %dma_wait3A_492] : memref<4x200x128xf32, #tpu.memory_space<vmem>> -> memref<1x200x128xf32, #tpu.memory_space<vmem>>
      %dma_wait3A_494 = tpu.memref_squeeze %dma_wait3A_493 : memref<1x200x128xf32, #tpu.memory_space<vmem>> -> memref<200x128xf32, #tpu.memory_space<vmem>>
      %dma_wait3A_495 = arith.constant 0 : i32
      %dma_wait3A_496 = arith.constant 0 : i32
      %dma_wait3A_497 = tpu.memref_slice %arg3[%dma_wait3A_495, %dma_wait3A_496] : memref<100000x128xf32, #tpu.memory_space<hbm>> -> memref<200x128xf32, #tpu.memory_space<hbm>>
      tpu.wait_dma2 semaphore(%arg13 : memref<!tpu.dma_semaphore, #tpu.memory_space<semaphore_mem>>) src(%dma_wait3A_497 : memref<200x128xf32, #tpu.memory_space<hbm>>) dst(%dma_wait3A_494 : memref<200x128xf32, #tpu.memory_space<vmem>>)
      %add3A_498 = arith.constant 2 : i32
      %add3A_499 = arith.addi %add3A_451, %add3A_498 : i32
      %mul3A_500 = arith.constant 200 : i32
      %mul3A_501 = arith.muli %add3A_499, %mul3A_500 : i32
      %dma_start3A_502 = arith.constant 2 : i32
      %dma_start3A_503 = arith.constant 0 : i32
      %dma_start3A_504 = arith.constant 0 : i32
      %dma_start3A_505 = tpu.memref_slice %arg6[%dma_start3A_502, %dma_start3A_503, %dma_start3A_504] : memref<4x200x128xf32, #tpu.memory_space<vmem>> -> memref<1x200x128xf32, #tpu.memory_space<vmem>>
      %dma_start3A_506 = tpu.memref_squeeze %dma_start3A_505 : memref<1x200x128xf32, #tpu.memory_space<vmem>> -> memref<200x128xf32, #tpu.memory_space<vmem>>
      %dma_start3A_507 = tpu.memref_slice %arg5[%mul3A_501] : memref<25600xi32, #tpu.memory_space<vmem>> -> memref<200xi32, #tpu.memory_space<vmem>>
      %dma_start3A_508 = arith.constant 0 : i32
      %dma_start3A_509 = arith.constant 0 : i32
      %dma_start3A_510 = tpu.memref_slice %arg3[%dma_start3A_508, %dma_start3A_509] : memref<100000x128xf32, #tpu.memory_space<hbm>> -> memref<100000x128xf32, #tpu.memory_space<hbm>>
      tpu.enqueue_indirect_dma source(%dma_start3A_510 : memref<100000x128xf32, #tpu.memory_space<hbm>>) target(%dma_start3A_506 : memref<200x128xf32, #tpu.memory_space<vmem>>) offsets(%dma_start3A_507 : memref<200xi32, #tpu.memory_space<vmem>>) semaphore(%arg9 : memref<!tpu.dma_semaphore, #tpu.memory_space<semaphore_mem>>)
      %add3A_511 = arith.constant 1 : i32
      %add3A_512 = arith.addi %add3A_449, %add3A_511 : i32
      %dma_wait3A_513 = arith.constant 1 : i32
      %dma_wait3A_514 = arith.constant 0 : i32
      %dma_wait3A_515 = arith.constant 0 : i32
      %dma_wait3A_516 = tpu.memref_slice %arg6[%dma_wait3A_513, %dma_wait3A_514, %dma_wait3A_515] : memref<4x200x128xf32, #tpu.memory_space<vmem>> -> memref<1x200x128xf32, #tpu.memory_space<vmem>>
      %dma_wait3A_517 = tpu.memref_squeeze %dma_wait3A_516 : memref<1x200x128xf32, #tpu.memory_space<vmem>> -> memref<200x128xf32, #tpu.memory_space<vmem>>
      %dma_wait3A_518 = arith.constant 0 : i32
      %dma_wait3A_519 = arith.constant 0 : i32
      %dma_wait3A_520 = tpu.memref_slice %arg3[%dma_wait3A_518, %dma_wait3A_519] : memref<100000x128xf32, #tpu.memory_space<hbm>> -> memref<200x128xf32, #tpu.memory_space<hbm>>
      %dma_wait3A_521 = arith.constant 0 : i32
      %dma_wait3A_522 = arith.constant 0 : i32
      %dma_wait3A_523 = tpu.memref_slice %arg6[%dma_wait3A_513, %dma_wait3A_521, %dma_wait3A_522] : memref<4x200x128xf32, #tpu.memory_space<vmem>> -> memref<1x200x128xf32, #tpu.memory_space<vmem>>
      %dma_wait3A_524 = tpu.memref_squeeze %dma_wait3A_523 : memref<1x200x128xf32, #tpu.memory_space<vmem>> -> memref<200x128xf32, #tpu.memory_space<vmem>>
      %dma_wait3A_525 = arith.constant 0 : i32
      %dma_wait3A_526 = arith.constant 0 : i32
      %dma_wait3A_527 = tpu.memref_slice %arg3[%dma_wait3A_525, %dma_wait3A_526] : memref<100000x128xf32, #tpu.memory_space<hbm>> -> memref<200x128xf32, #tpu.memory_space<hbm>>
      tpu.wait_dma2 semaphore(%arg8 : memref<!tpu.dma_semaphore, #tpu.memory_space<semaphore_mem>>) src(%dma_wait3A_527 : memref<200x128xf32, #tpu.memory_space<hbm>>) dst(%dma_wait3A_524 : memref<200x128xf32, #tpu.memory_space<vmem>>)
      %mul3A_528 = arith.constant 200 : i32
      %mul3A_529 = arith.muli %add3A_512, %mul3A_528 : i32
      %add3A_530 = arith.addi %mul3A_2, %mul3A_529 : i32
      %dma_start3A_531 = arith.constant 1 : i32
      %dma_start3A_532 = arith.constant 0 : i32
      %dma_start3A_533 = arith.constant 0 : i32
      %dma_start3A_534 = tpu.memref_slice %arg6[%dma_start3A_531, %dma_start3A_532, %dma_start3A_533] : memref<4x200x128xf32, #tpu.memory_space<vmem>> -> memref<1x200x128xf32, #tpu.memory_space<vmem>>
      %dma_start3A_535 = tpu.memref_squeeze %dma_start3A_534 : memref<1x200x128xf32, #tpu.memory_space<vmem>> -> memref<200x128xf32, #tpu.memory_space<vmem>>
      %dma_start3A_536 = arith.constant 0 : i32
      %dma_start3A_537 = tpu.memref_slice %arg4[%add3A_530, %dma_start3A_536] : memref<819200x128xf32, #tpu.memory_space<hbm>> -> memref<200x128xf32, #tpu.memory_space<hbm>>
      %dma_start3A_538 = arith.constant 0 : i32
      %dma_start3A_539 = tpu.memref_slice %arg4[%add3A_530, %dma_start3A_538] : memref<819200x128xf32, #tpu.memory_space<hbm>> -> memref<200x128xf32, #tpu.memory_space<hbm>>
      %dma_start3A_540 = arith.constant 0 : i32
      %dma_start3A_541 = arith.constant 0 : i32
      %dma_start3A_542 = tpu.memref_slice %arg6[%dma_start3A_531, %dma_start3A_540, %dma_start3A_541] : memref<4x200x128xf32, #tpu.memory_space<vmem>> -> memref<1x200x128xf32, #tpu.memory_space<vmem>>
      %dma_start3A_543 = tpu.memref_squeeze %dma_start3A_542 : memref<1x200x128xf32, #tpu.memory_space<vmem>> -> memref<200x128xf32, #tpu.memory_space<vmem>>
      tpu.enqueue_dma source(%dma_start3A_543 : memref<200x128xf32, #tpu.memory_space<vmem>>) target(%dma_start3A_539 : memref<200x128xf32, #tpu.memory_space<hbm>>) target_semaphore(%arg12 : memref<!tpu.dma_semaphore, #tpu.memory_space<semaphore_mem>>)
      %dma_wait3A_544 = arith.constant 3 : i32
      %dma_wait3A_545 = arith.constant 0 : i32
      %dma_wait3A_546 = arith.constant 0 : i32
      %dma_wait3A_547 = tpu.memref_slice %arg6[%dma_wait3A_544, %dma_wait3A_545, %dma_wait3A_546] : memref<4x200x128xf32, #tpu.memory_space<vmem>> -> memref<1x200x128xf32, #tpu.memory_space<vmem>>
      %dma_wait3A_548 = tpu.memref_squeeze %dma_wait3A_547 : memref<1x200x128xf32, #tpu.memory_space<vmem>> -> memref<200x128xf32, #tpu.memory_space<vmem>>
      %dma_wait3A_549 = arith.constant 0 : i32
      %dma_wait3A_550 = arith.constant 0 : i32
      %dma_wait3A_551 = tpu.memref_slice %arg3[%dma_wait3A_549, %dma_wait3A_550] : memref<100000x128xf32, #tpu.memory_space<hbm>> -> memref<200x128xf32, #tpu.memory_space<hbm>>
      %dma_wait3A_552 = arith.constant 0 : i32
      %dma_wait3A_553 = arith.constant 0 : i32
      %dma_wait3A_554 = tpu.memref_slice %arg6[%dma_wait3A_544, %dma_wait3A_552, %dma_wait3A_553] : memref<4x200x128xf32, #tpu.memory_space<vmem>> -> memref<1x200x128xf32, #tpu.memory_space<vmem>>
      %dma_wait3A_555 = tpu.memref_squeeze %dma_wait3A_554 : memref<1x200x128xf32, #tpu.memory_space<vmem>> -> memref<200x128xf32, #tpu.memory_space<vmem>>
      %dma_wait3A_556 = arith.constant 0 : i32
      %dma_wait3A_557 = arith.constant 0 : i32
      %dma_wait3A_558 = tpu.memref_slice %arg3[%dma_wait3A_556, %dma_wait3A_557] : memref<100000x128xf32, #tpu.memory_space<hbm>> -> memref<200x128xf32, #tpu.memory_space<hbm>>
      tpu.wait_dma2 semaphore(%arg14 : memref<!tpu.dma_semaphore, #tpu.memory_space<semaphore_mem>>) src(%dma_wait3A_558 : memref<200x128xf32, #tpu.memory_space<hbm>>) dst(%dma_wait3A_555 : memref<200x128xf32, #tpu.memory_space<vmem>>)
      %add3A_559 = arith.constant 2 : i32
      %add3A_560 = arith.addi %add3A_512, %add3A_559 : i32
      %mul3A_561 = arith.constant 200 : i32
      %mul3A_562 = arith.muli %add3A_560, %mul3A_561 : i32
      %dma_start3A_563 = arith.constant 3 : i32
      %dma_start3A_564 = arith.constant 0 : i32
      %dma_start3A_565 = arith.constant 0 : i32
      %dma_start3A_566 = tpu.memref_slice %arg6[%dma_start3A_563, %dma_start3A_564, %dma_start3A_565] : memref<4x200x128xf32, #tpu.memory_space<vmem>> -> memref<1x200x128xf32, #tpu.memory_space<vmem>>
      %dma_start3A_567 = tpu.memref_squeeze %dma_start3A_566 : memref<1x200x128xf32, #tpu.memory_space<vmem>> -> memref<200x128xf32, #tpu.memory_space<vmem>>
      %dma_start3A_568 = tpu.memref_slice %arg5[%mul3A_562] : memref<25600xi32, #tpu.memory_space<vmem>> -> memref<200xi32, #tpu.memory_space<vmem>>
      %dma_start3A_569 = arith.constant 0 : i32
      %dma_start3A_570 = arith.constant 0 : i32
      %dma_start3A_571 = tpu.memref_slice %arg3[%dma_start3A_569, %dma_start3A_570] : memref<100000x128xf32, #tpu.memory_space<hbm>> -> memref<100000x128xf32, #tpu.memory_space<hbm>>
      tpu.enqueue_indirect_dma source(%dma_start3A_571 : memref<100000x128xf32, #tpu.memory_space<hbm>>) target(%dma_start3A_567 : memref<200x128xf32, #tpu.memory_space<vmem>>) offsets(%dma_start3A_568 : memref<200xi32, #tpu.memory_space<vmem>>) semaphore(%arg10 : memref<!tpu.dma_semaphore, #tpu.memory_space<semaphore_mem>>)
      %add3A_572 = arith.constant 2 : i32
      %add3A_573 = arith.addi %add3A_449, %add3A_572 : i32
      %dma_wait3A_574 = arith.constant 2 : i32
      %dma_wait3A_575 = arith.constant 0 : i32
      %dma_wait3A_576 = arith.constant 0 : i32
      %dma_wait3A_577 = tpu.memref_slice %arg6[%dma_wait3A_574, %dma_wait3A_575, %dma_wait3A_576] : memref<4x200x128xf32, #tpu.memory_space<vmem>> -> memref<1x200x128xf32, #tpu.memory_space<vmem>>
      %dma_wait3A_578 = tpu.memref_squeeze %dma_wait3A_577 : memref<1x200x128xf32, #tpu.memory_space<vmem>> -> memref<200x128xf32, #tpu.memory_space<vmem>>
      %dma_wait3A_579 = arith.constant 0 : i32
      %dma_wait3A_580 = arith.constant 0 : i32
      %dma_wait3A_581 = tpu.memref_slice %arg3[%dma_wait3A_579, %dma_wait3A_580] : memref<100000x128xf32, #tpu.memory_space<hbm>> -> memref<200x128xf32, #tpu.memory_space<hbm>>
      %dma_wait3A_582 = arith.constant 0 : i32
      %dma_wait3A_583 = arith.constant 0 : i32
      %dma_wait3A_584 = tpu.memref_slice %arg6[%dma_wait3A_574, %dma_wait3A_582, %dma_wait3A_583] : memref<4x200x128xf32, #tpu.memory_space<vmem>> -> memref<1x200x128xf32, #tpu.memory_space<vmem>>
      %dma_wait3A_585 = tpu.memref_squeeze %dma_wait3A_584 : memref<1x200x128xf32, #tpu.memory_space<vmem>> -> memref<200x128xf32, #tpu.memory_space<vmem>>
      %dma_wait3A_586 = arith.constant 0 : i32
      %dma_wait3A_587 = arith.constant 0 : i32
      %dma_wait3A_588 = tpu.memref_slice %arg3[%dma_wait3A_586, %dma_wait3A_587] : memref<100000x128xf32, #tpu.memory_space<hbm>> -> memref<200x128xf32, #tpu.memory_space<hbm>>
      tpu.wait_dma2 semaphore(%arg9 : memref<!tpu.dma_semaphore, #tpu.memory_space<semaphore_mem>>) src(%dma_wait3A_588 : memref<200x128xf32, #tpu.memory_space<hbm>>) dst(%dma_wait3A_585 : memref<200x128xf32, #tpu.memory_space<vmem>>)
      %mul3A_589 = arith.constant 200 : i32
      %mul3A_590 = arith.muli %add3A_573, %mul3A_589 : i32
      %add3A_591 = arith.addi %mul3A_2, %mul3A_590 : i32
      %dma_start3A_592 = arith.constant 2 : i32
      %dma_start3A_593 = arith.constant 0 : i32
      %dma_start3A_594 = arith.constant 0 : i32
      %dma_start3A_595 = tpu.memref_slice %arg6[%dma_start3A_592, %dma_start3A_593, %dma_start3A_594] : memref<4x200x128xf32, #tpu.memory_space<vmem>> -> memref<1x200x128xf32, #tpu.memory_space<vmem>>
      %dma_start3A_596 = tpu.memref_squeeze %dma_start3A_595 : memref<1x200x128xf32, #tpu.memory_space<vmem>> -> memref<200x128xf32, #tpu.memory_space<vmem>>
      %dma_start3A_597 = arith.constant 0 : i32
      %dma_start3A_598 = tpu.memref_slice %arg4[%add3A_591, %dma_start3A_597] : memref<819200x128xf32, #tpu.memory_space<hbm>> -> memref<200x128xf32, #tpu.memory_space<hbm>>
      %dma_start3A_599 = arith.constant 0 : i32
      %dma_start3A_600 = tpu.memref_slice %arg4[%add3A_591, %dma_start3A_599] : memref<819200x128xf32, #tpu.memory_space<hbm>> -> memref<200x128xf32, #tpu.memory_space<hbm>>
      %dma_start3A_601 = arith.constant 0 : i32
      %dma_start3A_602 = arith.constant 0 : i32
      %dma_start3A_603 = tpu.memref_slice %arg6[%dma_start3A_592, %dma_start3A_601, %dma_start3A_602] : memref<4x200x128xf32, #tpu.memory_space<vmem>> -> memref<1x200x128xf32, #tpu.memory_space<vmem>>
      %dma_start3A_604 = tpu.memref_squeeze %dma_start3A_603 : memref<1x200x128xf32, #tpu.memory_space<vmem>> -> memref<200x128xf32, #tpu.memory_space<vmem>>
      tpu.enqueue_dma source(%dma_start3A_604 : memref<200x128xf32, #tpu.memory_space<vmem>>) target(%dma_start3A_600 : memref<200x128xf32, #tpu.memory_space<hbm>>) target_semaphore(%arg13 : memref<!tpu.dma_semaphore, #tpu.memory_space<semaphore_mem>>)
      %dma_wait3A_605 = arith.constant 0 : i32
      %dma_wait3A_606 = arith.constant 0 : i32
      %dma_wait3A_607 = arith.constant 0 : i32
      %dma_wait3A_608 = tpu.memref_slice %arg6[%dma_wait3A_605, %dma_wait3A_606, %dma_wait3A_607] : memref<4x200x128xf32, #tpu.memory_space<vmem>> -> memref<1x200x128xf32, #tpu.memory_space<vmem>>
      %dma_wait3A_609 = tpu.memref_squeeze %dma_wait3A_608 : memref<1x200x128xf32, #tpu.memory_space<vmem>> -> memref<200x128xf32, #tpu.memory_space<vmem>>
      %dma_wait3A_610 = arith.constant 0 : i32
      %dma_wait3A_611 = arith.constant 0 : i32
      %dma_wait3A_612 = tpu.memref_slice %arg3[%dma_wait3A_610, %dma_wait3A_611] : memref<100000x128xf32, #tpu.memory_space<hbm>> -> memref<200x128xf32, #tpu.memory_space<hbm>>
      %dma_wait3A_613 = arith.constant 0 : i32
      %dma_wait3A_614 = arith.constant 0 : i32
      %dma_wait3A_615 = tpu.memref_slice %arg6[%dma_wait3A_605, %dma_wait3A_613, %dma_wait3A_614] : memref<4x200x128xf32, #tpu.memory_space<vmem>> -> memref<1x200x128xf32, #tpu.memory_space<vmem>>
      %dma_wait3A_616 = tpu.memref_squeeze %dma_wait3A_615 : memref<1x200x128xf32, #tpu.memory_space<vmem>> -> memref<200x128xf32, #tpu.memory_space<vmem>>
      %dma_wait3A_617 = arith.constant 0 : i32
      %dma_wait3A_618 = arith.constant 0 : i32
      %dma_wait3A_619 = tpu.memref_slice %arg3[%dma_wait3A_617, %dma_wait3A_618] : memref<100000x128xf32, #tpu.memory_space<hbm>> -> memref<200x128xf32, #tpu.memory_space<hbm>>
      tpu.wait_dma2 semaphore(%arg11 : memref<!tpu.dma_semaphore, #tpu.memory_space<semaphore_mem>>) src(%dma_wait3A_619 : memref<200x128xf32, #tpu.memory_space<hbm>>) dst(%dma_wait3A_616 : memref<200x128xf32, #tpu.memory_space<vmem>>)
      %add3A_620 = arith.constant 2 : i32
      %add3A_621 = arith.addi %add3A_573, %add3A_620 : i32
      %mul3A_622 = arith.constant 200 : i32
      %mul3A_623 = arith.muli %add3A_621, %mul3A_622 : i32
      %dma_start3A_624 = arith.constant 0 : i32
      %dma_start3A_625 = arith.constant 0 : i32
      %dma_start3A_626 = arith.constant 0 : i32
      %dma_start3A_627 = tpu.memref_slice %arg6[%dma_start3A_624, %dma_start3A_625, %dma_start3A_626] : memref<4x200x128xf32, #tpu.memory_space<vmem>> -> memref<1x200x128xf32, #tpu.memory_space<vmem>>
      %dma_start3A_628 = tpu.memref_squeeze %dma_start3A_627 : memref<1x200x128xf32, #tpu.memory_space<vmem>> -> memref<200x128xf32, #tpu.memory_space<vmem>>
      %dma_start3A_629 = tpu.memref_slice %arg5[%mul3A_623] : memref<25600xi32, #tpu.memory_space<vmem>> -> memref<200xi32, #tpu.memory_space<vmem>>
      %dma_start3A_630 = arith.constant 0 : i32
      %dma_start3A_631 = arith.constant 0 : i32
      %dma_start3A_632 = tpu.memref_slice %arg3[%dma_start3A_630, %dma_start3A_631] : memref<100000x128xf32, #tpu.memory_space<hbm>> -> memref<100000x128xf32, #tpu.memory_space<hbm>>
      tpu.enqueue_indirect_dma source(%dma_start3A_632 : memref<100000x128xf32, #tpu.memory_space<hbm>>) target(%dma_start3A_628 : memref<200x128xf32, #tpu.memory_space<vmem>>) offsets(%dma_start3A_629 : memref<200xi32, #tpu.memory_space<vmem>>) semaphore(%arg7 : memref<!tpu.dma_semaphore, #tpu.memory_space<semaphore_mem>>)
      %add3A_633 = arith.constant 3 : i32
      %add3A_634 = arith.addi %add3A_449, %add3A_633 : i32
      %dma_wait3A_635 = arith.constant 3 : i32
      %dma_wait3A_636 = arith.constant 0 : i32
      %dma_wait3A_637 = arith.constant 0 : i32
      %dma_wait3A_638 = tpu.memref_slice %arg6[%dma_wait3A_635, %dma_wait3A_636, %dma_wait3A_637] : memref<4x200x128xf32, #tpu.memory_space<vmem>> -> memref<1x200x128xf32, #tpu.memory_space<vmem>>
      %dma_wait3A_639 = tpu.memref_squeeze %dma_wait3A_638 : memref<1x200x128xf32, #tpu.memory_space<vmem>> -> memref<200x128xf32, #tpu.memory_space<vmem>>
      %dma_wait3A_640 = arith.constant 0 : i32
      %dma_wait3A_641 = arith.constant 0 : i32
      %dma_wait3A_642 = tpu.memref_slice %arg3[%dma_wait3A_640, %dma_wait3A_641] : memref<100000x128xf32, #tpu.memory_space<hbm>> -> memref<200x128xf32, #tpu.memory_space<hbm>>
      %dma_wait3A_643 = arith.constant 0 : i32
      %dma_wait3A_644 = arith.constant 0 : i32
      %dma_wait3A_645 = tpu.memref_slice %arg6[%dma_wait3A_635, %dma_wait3A_643, %dma_wait3A_644] : memref<4x200x128xf32, #tpu.memory_space<vmem>> -> memref<1x200x128xf32, #tpu.memory_space<vmem>>
      %dma_wait3A_646 = tpu.memref_squeeze %dma_wait3A_645 : memref<1x200x128xf32, #tpu.memory_space<vmem>> -> memref<200x128xf32, #tpu.memory_space<vmem>>
      %dma_wait3A_647 = arith.constant 0 : i32
      %dma_wait3A_648 = arith.constant 0 : i32
      %dma_wait3A_649 = tpu.memref_slice %arg3[%dma_wait3A_647, %dma_wait3A_648] : memref<100000x128xf32, #tpu.memory_space<hbm>> -> memref<200x128xf32, #tpu.memory_space<hbm>>
      tpu.wait_dma2 semaphore(%arg10 : memref<!tpu.dma_semaphore, #tpu.memory_space<semaphore_mem>>) src(%dma_wait3A_649 : memref<200x128xf32, #tpu.memory_space<hbm>>) dst(%dma_wait3A_646 : memref<200x128xf32, #tpu.memory_space<vmem>>)
      %mul3A_650 = arith.constant 200 : i32
      %mul3A_651 = arith.muli %add3A_634, %mul3A_650 : i32
      %add3A_652 = arith.addi %mul3A_2, %mul3A_651 : i32
      %dma_start3A_653 = arith.constant 3 : i32
      %dma_start3A_654 = arith.constant 0 : i32
      %dma_start3A_655 = arith.constant 0 : i32
      %dma_start3A_656 = tpu.memref_slice %arg6[%dma_start3A_653, %dma_start3A_654, %dma_start3A_655] : memref<4x200x128xf32, #tpu.memory_space<vmem>> -> memref<1x200x128xf32, #tpu.memory_space<vmem>>
      %dma_start3A_657 = tpu.memref_squeeze %dma_start3A_656 : memref<1x200x128xf32, #tpu.memory_space<vmem>> -> memref<200x128xf32, #tpu.memory_space<vmem>>
      %dma_start3A_658 = arith.constant 0 : i32
      %dma_start3A_659 = tpu.memref_slice %arg4[%add3A_652, %dma_start3A_658] : memref<819200x128xf32, #tpu.memory_space<hbm>> -> memref<200x128xf32, #tpu.memory_space<hbm>>
      %dma_start3A_660 = arith.constant 0 : i32
      %dma_start3A_661 = tpu.memref_slice %arg4[%add3A_652, %dma_start3A_660] : memref<819200x128xf32, #tpu.memory_space<hbm>> -> memref<200x128xf32, #tpu.memory_space<hbm>>
      %dma_start3A_662 = arith.constant 0 : i32
      %dma_start3A_663 = arith.constant 0 : i32
      %dma_start3A_664 = tpu.memref_slice %arg6[%dma_start3A_653, %dma_start3A_662, %dma_start3A_663] : memref<4x200x128xf32, #tpu.memory_space<vmem>> -> memref<1x200x128xf32, #tpu.memory_space<vmem>>
      %dma_start3A_665 = tpu.memref_squeeze %dma_start3A_664 : memref<1x200x128xf32, #tpu.memory_space<vmem>> -> memref<200x128xf32, #tpu.memory_space<vmem>>
      tpu.enqueue_dma source(%dma_start3A_665 : memref<200x128xf32, #tpu.memory_space<vmem>>) target(%dma_start3A_661 : memref<200x128xf32, #tpu.memory_space<hbm>>) target_semaphore(%arg14 : memref<!tpu.dma_semaphore, #tpu.memory_space<semaphore_mem>>)
      %dma_wait3A_666 = arith.constant 1 : i32
      %dma_wait3A_667 = arith.constant 0 : i32
      %dma_wait3A_668 = arith.constant 0 : i32
      %dma_wait3A_669 = tpu.memref_slice %arg6[%dma_wait3A_666, %dma_wait3A_667, %dma_wait3A_668] : memref<4x200x128xf32, #tpu.memory_space<vmem>> -> memref<1x200x128xf32, #tpu.memory_space<vmem>>
      %dma_wait3A_670 = tpu.memref_squeeze %dma_wait3A_669 : memref<1x200x128xf32, #tpu.memory_space<vmem>> -> memref<200x128xf32, #tpu.memory_space<vmem>>
      %dma_wait3A_671 = arith.constant 0 : i32
      %dma_wait3A_672 = arith.constant 0 : i32
      %dma_wait3A_673 = tpu.memref_slice %arg3[%dma_wait3A_671, %dma_wait3A_672] : memref<100000x128xf32, #tpu.memory_space<hbm>> -> memref<200x128xf32, #tpu.memory_space<hbm>>
      %dma_wait3A_674 = arith.constant 0 : i32
      %dma_wait3A_675 = arith.constant 0 : i32
      %dma_wait3A_676 = tpu.memref_slice %arg6[%dma_wait3A_666, %dma_wait3A_674, %dma_wait3A_675] : memref<4x200x128xf32, #tpu.memory_space<vmem>> -> memref<1x200x128xf32, #tpu.memory_space<vmem>>
      %dma_wait3A_677 = tpu.memref_squeeze %dma_wait3A_676 : memref<1x200x128xf32, #tpu.memory_space<vmem>> -> memref<200x128xf32, #tpu.memory_space<vmem>>
      %dma_wait3A_678 = arith.constant 0 : i32
      %dma_wait3A_679 = arith.constant 0 : i32
      %dma_wait3A_680 = tpu.memref_slice %arg3[%dma_wait3A_678, %dma_wait3A_679] : memref<100000x128xf32, #tpu.memory_space<hbm>> -> memref<200x128xf32, #tpu.memory_space<hbm>>
      tpu.wait_dma2 semaphore(%arg12 : memref<!tpu.dma_semaphore, #tpu.memory_space<semaphore_mem>>) src(%dma_wait3A_680 : memref<200x128xf32, #tpu.memory_space<hbm>>) dst(%dma_wait3A_677 : memref<200x128xf32, #tpu.memory_space<vmem>>)
      %add3A_681 = arith.constant 2 : i32
      %add3A_682 = arith.addi %add3A_634, %add3A_681 : i32
      %mul3A_683 = arith.constant 200 : i32
      %mul3A_684 = arith.muli %add3A_682, %mul3A_683 : i32
      %dma_start3A_685 = arith.constant 1 : i32
      %dma_start3A_686 = arith.constant 0 : i32
      %dma_start3A_687 = arith.constant 0 : i32
      %dma_start3A_688 = tpu.memref_slice %arg6[%dma_start3A_685, %dma_start3A_686, %dma_start3A_687] : memref<4x200x128xf32, #tpu.memory_space<vmem>> -> memref<1x200x128xf32, #tpu.memory_space<vmem>>
      %dma_start3A_689 = tpu.memref_squeeze %dma_start3A_688 : memref<1x200x128xf32, #tpu.memory_space<vmem>> -> memref<200x128xf32, #tpu.memory_space<vmem>>
      %dma_start3A_690 = tpu.memref_slice %arg5[%mul3A_684] : memref<25600xi32, #tpu.memory_space<vmem>> -> memref<200xi32, #tpu.memory_space<vmem>>
      %dma_start3A_691 = arith.constant 0 : i32
      %dma_start3A_692 = arith.constant 0 : i32
      %dma_start3A_693 = tpu.memref_slice %arg3[%dma_start3A_691, %dma_start3A_692] : memref<100000x128xf32, #tpu.memory_space<hbm>> -> memref<100000x128xf32, #tpu.memory_space<hbm>>
      tpu.enqueue_indirect_dma source(%dma_start3A_693 : memref<100000x128xf32, #tpu.memory_space<hbm>>) target(%dma_start3A_689 : memref<200x128xf32, #tpu.memory_space<vmem>>) offsets(%dma_start3A_690 : memref<200xi32, #tpu.memory_space<vmem>>) semaphore(%arg8 : memref<!tpu.dma_semaphore, #tpu.memory_space<semaphore_mem>>)
    }
    %scan3A_214 = arith.constant 30 : i32
    %dma_wait3A_215 = arith.constant 0 : i32
    %dma_wait3A_216 = arith.constant 0 : i32
    %dma_wait3A_217 = arith.constant 0 : i32
    %dma_wait3A_218 = tpu.memref_slice %arg6[%dma_wait3A_215, %dma_wait3A_216, %dma_wait3A_217] : memref<4x200x128xf32, #tpu.memory_space<vmem>> -> memref<1x200x128xf32, #tpu.memory_space<vmem>>
    %dma_wait3A_219 = tpu.memref_squeeze %dma_wait3A_218 : memref<1x200x128xf32, #tpu.memory_space<vmem>> -> memref<200x128xf32, #tpu.memory_space<vmem>>
    %dma_wait3A_220 = arith.constant 0 : i32
    %dma_wait3A_221 = arith.constant 0 : i32
    %dma_wait3A_222 = tpu.memref_slice %arg3[%dma_wait3A_220, %dma_wait3A_221] : memref<100000x128xf32, #tpu.memory_space<hbm>> -> memref<200x128xf32, #tpu.memory_space<hbm>>
    %dma_wait3A_223 = arith.constant 0 : i32
    %dma_wait3A_224 = arith.constant 0 : i32
    %dma_wait3A_225 = tpu.memref_slice %arg6[%dma_wait3A_215, %dma_wait3A_223, %dma_wait3A_224] : memref<4x200x128xf32, #tpu.memory_space<vmem>> -> memref<1x200x128xf32, #tpu.memory_space<vmem>>
    %dma_wait3A_226 = tpu.memref_squeeze %dma_wait3A_225 : memref<1x200x128xf32, #tpu.memory_space<vmem>> -> memref<200x128xf32, #tpu.memory_space<vmem>>
    %dma_wait3A_227 = arith.constant 0 : i32
    %dma_wait3A_228 = arith.constant 0 : i32
    %dma_wait3A_229 = tpu.memref_slice %arg3[%dma_wait3A_227, %dma_wait3A_228] : memref<100000x128xf32, #tpu.memory_space<hbm>> -> memref<200x128xf32, #tpu.memory_space<hbm>>
    tpu.wait_dma2 semaphore(%arg7 : memref<!tpu.dma_semaphore, #tpu.memory_space<semaphore_mem>>) src(%dma_wait3A_229 : memref<200x128xf32, #tpu.memory_space<hbm>>) dst(%dma_wait3A_226 : memref<200x128xf32, #tpu.memory_space<vmem>>)
    %add3A_230 = arith.constant 24800 : i32
    %add3A_231 = arith.addi %mul3A_2, %add3A_230 : i32
    %dma_start3A_232 = arith.constant 0 : i32
    %dma_start3A_233 = arith.constant 0 : i32
    %dma_start3A_234 = arith.constant 0 : i32
    %dma_start3A_235 = tpu.memref_slice %arg6[%dma_start3A_232, %dma_start3A_233, %dma_start3A_234] : memref<4x200x128xf32, #tpu.memory_space<vmem>> -> memref<1x200x128xf32, #tpu.memory_space<vmem>>
    %dma_start3A_236 = tpu.memref_squeeze %dma_start3A_235 : memref<1x200x128xf32, #tpu.memory_space<vmem>> -> memref<200x128xf32, #tpu.memory_space<vmem>>
    %dma_start3A_237 = arith.constant 0 : i32
    %dma_start3A_238 = tpu.memref_slice %arg4[%add3A_231, %dma_start3A_237] : memref<819200x128xf32, #tpu.memory_space<hbm>> -> memref<200x128xf32, #tpu.memory_space<hbm>>
    %dma_start3A_239 = arith.constant 0 : i32
    %dma_start3A_240 = tpu.memref_slice %arg4[%add3A_231, %dma_start3A_239] : memref<819200x128xf32, #tpu.memory_space<hbm>> -> memref<200x128xf32, #tpu.memory_space<hbm>>
    %dma_start3A_241 = arith.constant 0 : i32
    %dma_start3A_242 = arith.constant 0 : i32
    %dma_start3A_243 = tpu.memref_slice %arg6[%dma_start3A_232, %dma_start3A_241, %dma_start3A_242] : memref<4x200x128xf32, #tpu.memory_space<vmem>> -> memref<1x200x128xf32, #tpu.memory_space<vmem>>
    %dma_start3A_244 = tpu.memref_squeeze %dma_start3A_243 : memref<1x200x128xf32, #tpu.memory_space<vmem>> -> memref<200x128xf32, #tpu.memory_space<vmem>>
    tpu.enqueue_dma source(%dma_start3A_244 : memref<200x128xf32, #tpu.memory_space<vmem>>) target(%dma_start3A_240 : memref<200x128xf32, #tpu.memory_space<hbm>>) target_semaphore(%arg11 : memref<!tpu.dma_semaphore, #tpu.memory_space<semaphore_mem>>)
    %dma_wait3A_245 = arith.constant 2 : i32
    %dma_wait3A_246 = arith.constant 0 : i32
    %dma_wait3A_247 = arith.constant 0 : i32
    %dma_wait3A_248 = tpu.memref_slice %arg6[%dma_wait3A_245, %dma_wait3A_246, %dma_wait3A_247] : memref<4x200x128xf32, #tpu.memory_space<vmem>> -> memref<1x200x128xf32, #tpu.memory_space<vmem>>
    %dma_wait3A_249 = tpu.memref_squeeze %dma_wait3A_248 : memref<1x200x128xf32, #tpu.memory_space<vmem>> -> memref<200x128xf32, #tpu.memory_space<vmem>>
    %dma_wait3A_250 = arith.constant 0 : i32
    %dma_wait3A_251 = arith.constant 0 : i32
    %dma_wait3A_252 = tpu.memref_slice %arg3[%dma_wait3A_250, %dma_wait3A_251] : memref<100000x128xf32, #tpu.memory_space<hbm>> -> memref<200x128xf32, #tpu.memory_space<hbm>>
    %dma_wait3A_253 = arith.constant 0 : i32
    %dma_wait3A_254 = arith.constant 0 : i32
    %dma_wait3A_255 = tpu.memref_slice %arg6[%dma_wait3A_245, %dma_wait3A_253, %dma_wait3A_254] : memref<4x200x128xf32, #tpu.memory_space<vmem>> -> memref<1x200x128xf32, #tpu.memory_space<vmem>>
    %dma_wait3A_256 = tpu.memref_squeeze %dma_wait3A_255 : memref<1x200x128xf32, #tpu.memory_space<vmem>> -> memref<200x128xf32, #tpu.memory_space<vmem>>
    %dma_wait3A_257 = arith.constant 0 : i32
    %dma_wait3A_258 = arith.constant 0 : i32
    %dma_wait3A_259 = tpu.memref_slice %arg3[%dma_wait3A_257, %dma_wait3A_258] : memref<100000x128xf32, #tpu.memory_space<hbm>> -> memref<200x128xf32, #tpu.memory_space<hbm>>
    tpu.wait_dma2 semaphore(%arg13 : memref<!tpu.dma_semaphore, #tpu.memory_space<semaphore_mem>>) src(%dma_wait3A_259 : memref<200x128xf32, #tpu.memory_space<hbm>>) dst(%dma_wait3A_256 : memref<200x128xf32, #tpu.memory_space<vmem>>)
    %dma_start3A_260 = arith.constant 2 : i32
    %dma_start3A_261 = arith.constant 0 : i32
    %dma_start3A_262 = arith.constant 0 : i32
    %dma_start3A_263 = tpu.memref_slice %arg6[%dma_start3A_260, %dma_start3A_261, %dma_start3A_262] : memref<4x200x128xf32, #tpu.memory_space<vmem>> -> memref<1x200x128xf32, #tpu.memory_space<vmem>>
    %dma_start3A_264 = tpu.memref_squeeze %dma_start3A_263 : memref<1x200x128xf32, #tpu.memory_space<vmem>> -> memref<200x128xf32, #tpu.memory_space<vmem>>
    %dma_start3A_265 = arith.constant 25200 : i32
    %dma_start3A_266 = tpu.memref_slice %arg5[%dma_start3A_265] : memref<25600xi32, #tpu.memory_space<vmem>> -> memref<200xi32, #tpu.memory_space<vmem>>
    %dma_start3A_267 = arith.constant 0 : i32
    %dma_start3A_268 = arith.constant 0 : i32
    %dma_start3A_269 = tpu.memref_slice %arg3[%dma_start3A_267, %dma_start3A_268] : memref<100000x128xf32, #tpu.memory_space<hbm>> -> memref<100000x128xf32, #tpu.memory_space<hbm>>
    tpu.enqueue_indirect_dma source(%dma_start3A_269 : memref<100000x128xf32, #tpu.memory_space<hbm>>) target(%dma_start3A_264 : memref<200x128xf32, #tpu.memory_space<vmem>>) offsets(%dma_start3A_266 : memref<200xi32, #tpu.memory_space<vmem>>) semaphore(%arg9 : memref<!tpu.dma_semaphore, #tpu.memory_space<semaphore_mem>>)
    %dma_wait3A_270 = arith.constant 1 : i32
    %dma_wait3A_271 = arith.constant 0 : i32
    %dma_wait3A_272 = arith.constant 0 : i32
    %dma_wait3A_273 = tpu.memref_slice %arg6[%dma_wait3A_270, %dma_wait3A_271, %dma_wait3A_272] : memref<4x200x128xf32, #tpu.memory_space<vmem>> -> memref<1x200x128xf32, #tpu.memory_space<vmem>>
    %dma_wait3A_274 = tpu.memref_squeeze %dma_wait3A_273 : memref<1x200x128xf32, #tpu.memory_space<vmem>> -> memref<200x128xf32, #tpu.memory_space<vmem>>
    %dma_wait3A_275 = arith.constant 0 : i32
    %dma_wait3A_276 = arith.constant 0 : i32
    %dma_wait3A_277 = tpu.memref_slice %arg3[%dma_wait3A_275, %dma_wait3A_276] : memref<100000x128xf32, #tpu.memory_space<hbm>> -> memref<200x128xf32, #tpu.memory_space<hbm>>
    %dma_wait3A_278 = arith.constant 0 : i32
    %dma_wait3A_279 = arith.constant 0 : i32
    %dma_wait3A_280 = tpu.memref_slice %arg6[%dma_wait3A_270, %dma_wait3A_278, %dma_wait3A_279] : memref<4x200x128xf32, #tpu.memory_space<vmem>> -> memref<1x200x128xf32, #tpu.memory_space<vmem>>
    %dma_wait3A_281 = tpu.memref_squeeze %dma_wait3A_280 : memref<1x200x128xf32, #tpu.memory_space<vmem>> -> memref<200x128xf32, #tpu.memory_space<vmem>>
    %dma_wait3A_282 = arith.constant 0 : i32
    %dma_wait3A_283 = arith.constant 0 : i32
    %dma_wait3A_284 = tpu.memref_slice %arg3[%dma_wait3A_282, %dma_wait3A_283] : memref<100000x128xf32, #tpu.memory_space<hbm>> -> memref<200x128xf32, #tpu.memory_space<hbm>>
    tpu.wait_dma2 semaphore(%arg8 : memref<!tpu.dma_semaphore, #tpu.memory_space<semaphore_mem>>) src(%dma_wait3A_284 : memref<200x128xf32, #tpu.memory_space<hbm>>) dst(%dma_wait3A_281 : memref<200x128xf32, #tpu.memory_space<vmem>>)
    %add3A_285 = arith.constant 25000 : i32
    %add3A_286 = arith.addi %mul3A_2, %add3A_285 : i32
    %dma_start3A_287 = arith.constant 1 : i32
    %dma_start3A_288 = arith.constant 0 : i32
    %dma_start3A_289 = arith.constant 0 : i32
    %dma_start3A_290 = tpu.memref_slice %arg6[%dma_start3A_287, %dma_start3A_288, %dma_start3A_289] : memref<4x200x128xf32, #tpu.memory_space<vmem>> -> memref<1x200x128xf32, #tpu.memory_space<vmem>>
    %dma_start3A_291 = tpu.memref_squeeze %dma_start3A_290 : memref<1x200x128xf32, #tpu.memory_space<vmem>> -> memref<200x128xf32, #tpu.memory_space<vmem>>
    %dma_start3A_292 = arith.constant 0 : i32
    %dma_start3A_293 = tpu.memref_slice %arg4[%add3A_286, %dma_start3A_292] : memref<819200x128xf32, #tpu.memory_space<hbm>> -> memref<200x128xf32, #tpu.memory_space<hbm>>
    %dma_start3A_294 = arith.constant 0 : i32
    %dma_start3A_295 = tpu.memref_slice %arg4[%add3A_286, %dma_start3A_294] : memref<819200x128xf32, #tpu.memory_space<hbm>> -> memref<200x128xf32, #tpu.memory_space<hbm>>
    %dma_start3A_296 = arith.constant 0 : i32
    %dma_start3A_297 = arith.constant 0 : i32
    %dma_start3A_298 = tpu.memref_slice %arg6[%dma_start3A_287, %dma_start3A_296, %dma_start3A_297] : memref<4x200x128xf32, #tpu.memory_space<vmem>> -> memref<1x200x128xf32, #tpu.memory_space<vmem>>
    %dma_start3A_299 = tpu.memref_squeeze %dma_start3A_298 : memref<1x200x128xf32, #tpu.memory_space<vmem>> -> memref<200x128xf32, #tpu.memory_space<vmem>>
    tpu.enqueue_dma source(%dma_start3A_299 : memref<200x128xf32, #tpu.memory_space<vmem>>) target(%dma_start3A_295 : memref<200x128xf32, #tpu.memory_space<hbm>>) target_semaphore(%arg12 : memref<!tpu.dma_semaphore, #tpu.memory_space<semaphore_mem>>)
    %dma_wait3A_300 = arith.constant 3 : i32
    %dma_wait3A_301 = arith.constant 0 : i32
    %dma_wait3A_302 = arith.constant 0 : i32
    %dma_wait3A_303 = tpu.memref_slice %arg6[%dma_wait3A_300, %dma_wait3A_301, %dma_wait3A_302] : memref<4x200x128xf32, #tpu.memory_space<vmem>> -> memref<1x200x128xf32, #tpu.memory_space<vmem>>
    %dma_wait3A_304 = tpu.memref_squeeze %dma_wait3A_303 : memref<1x200x128xf32, #tpu.memory_space<vmem>> -> memref<200x128xf32, #tpu.memory_space<vmem>>
    %dma_wait3A_305 = arith.constant 0 : i32
    %dma_wait3A_306 = arith.constant 0 : i32
    %dma_wait3A_307 = tpu.memref_slice %arg3[%dma_wait3A_305, %dma_wait3A_306] : memref<100000x128xf32, #tpu.memory_space<hbm>> -> memref<200x128xf32, #tpu.memory_space<hbm>>
    %dma_wait3A_308 = arith.constant 0 : i32
    %dma_wait3A_309 = arith.constant 0 : i32
    %dma_wait3A_310 = tpu.memref_slice %arg6[%dma_wait3A_300, %dma_wait3A_308, %dma_wait3A_309] : memref<4x200x128xf32, #tpu.memory_space<vmem>> -> memref<1x200x128xf32, #tpu.memory_space<vmem>>
    %dma_wait3A_311 = tpu.memref_squeeze %dma_wait3A_310 : memref<1x200x128xf32, #tpu.memory_space<vmem>> -> memref<200x128xf32, #tpu.memory_space<vmem>>
    %dma_wait3A_312 = arith.constant 0 : i32
    %dma_wait3A_313 = arith.constant 0 : i32
    %dma_wait3A_314 = tpu.memref_slice %arg3[%dma_wait3A_312, %dma_wait3A_313] : memref<100000x128xf32, #tpu.memory_space<hbm>> -> memref<200x128xf32, #tpu.memory_space<hbm>>
    tpu.wait_dma2 semaphore(%arg14 : memref<!tpu.dma_semaphore, #tpu.memory_space<semaphore_mem>>) src(%dma_wait3A_314 : memref<200x128xf32, #tpu.memory_space<hbm>>) dst(%dma_wait3A_311 : memref<200x128xf32, #tpu.memory_space<vmem>>)
    %dma_start3A_315 = arith.constant 3 : i32
    %dma_start3A_316 = arith.constant 0 : i32
    %dma_start3A_317 = arith.constant 0 : i32
    %dma_start3A_318 = tpu.memref_slice %arg6[%dma_start3A_315, %dma_start3A_316, %dma_start3A_317] : memref<4x200x128xf32, #tpu.memory_space<vmem>> -> memref<1x200x128xf32, #tpu.memory_space<vmem>>
    %dma_start3A_319 = tpu.memref_squeeze %dma_start3A_318 : memref<1x200x128xf32, #tpu.memory_space<vmem>> -> memref<200x128xf32, #tpu.memory_space<vmem>>
    %dma_start3A_320 = arith.constant 25400 : i32
    %dma_start3A_321 = tpu.memref_slice %arg5[%dma_start3A_320] : memref<25600xi32, #tpu.memory_space<vmem>> -> memref<200xi32, #tpu.memory_space<vmem>>
    %dma_start3A_322 = arith.constant 0 : i32
    %dma_start3A_323 = arith.constant 0 : i32
    %dma_start3A_324 = tpu.memref_slice %arg3[%dma_start3A_322, %dma_start3A_323] : memref<100000x128xf32, #tpu.memory_space<hbm>> -> memref<100000x128xf32, #tpu.memory_space<hbm>>
    tpu.enqueue_indirect_dma source(%dma_start3A_324 : memref<100000x128xf32, #tpu.memory_space<hbm>>) target(%dma_start3A_319 : memref<200x128xf32, #tpu.memory_space<vmem>>) offsets(%dma_start3A_321 : memref<200xi32, #tpu.memory_space<vmem>>) semaphore(%arg10 : memref<!tpu.dma_semaphore, #tpu.memory_space<semaphore_mem>>)
    %dma_wait3A_325 = arith.constant 2 : i32
    %dma_wait3A_326 = arith.constant 0 : i32
    %dma_wait3A_327 = arith.constant 0 : i32
    %dma_wait3A_328 = tpu.memref_slice %arg6[%dma_wait3A_325, %dma_wait3A_326, %dma_wait3A_327] : memref<4x200x128xf32, #tpu.memory_space<vmem>> -> memref<1x200x128xf32, #tpu.memory_space<vmem>>
    %dma_wait3A_329 = tpu.memref_squeeze %dma_wait3A_328 : memref<1x200x128xf32, #tpu.memory_space<vmem>> -> memref<200x128xf32, #tpu.memory_space<vmem>>
    %dma_wait3A_330 = arith.constant 0 : i32
    %dma_wait3A_331 = arith.constant 0 : i32
    %dma_wait3A_332 = tpu.memref_slice %arg3[%dma_wait3A_330, %dma_wait3A_331] : memref<100000x128xf32, #tpu.memory_space<hbm>> -> memref<200x128xf32, #tpu.memory_space<hbm>>
    %dma_wait3A_333 = arith.constant 0 : i32
    %dma_wait3A_334 = arith.constant 0 : i32
    %dma_wait3A_335 = tpu.memref_slice %arg6[%dma_wait3A_325, %dma_wait3A_333, %dma_wait3A_334] : memref<4x200x128xf32, #tpu.memory_space<vmem>> -> memref<1x200x128xf32, #tpu.memory_space<vmem>>
    %dma_wait3A_336 = tpu.memref_squeeze %dma_wait3A_335 : memref<1x200x128xf32, #tpu.memory_space<vmem>> -> memref<200x128xf32, #tpu.memory_space<vmem>>
    %dma_wait3A_337 = arith.constant 0 : i32
    %dma_wait3A_338 = arith.constant 0 : i32
    %dma_wait3A_339 = tpu.memref_slice %arg3[%dma_wait3A_337, %dma_wait3A_338] : memref<100000x128xf32, #tpu.memory_space<hbm>> -> memref<200x128xf32, #tpu.memory_space<hbm>>
    tpu.wait_dma2 semaphore(%arg9 : memref<!tpu.dma_semaphore, #tpu.memory_space<semaphore_mem>>) src(%dma_wait3A_339 : memref<200x128xf32, #tpu.memory_space<hbm>>) dst(%dma_wait3A_336 : memref<200x128xf32, #tpu.memory_space<vmem>>)
    %add3A_340 = arith.constant 25200 : i32
    %add3A_341 = arith.addi %mul3A_2, %add3A_340 : i32
    %dma_start3A_342 = arith.constant 2 : i32
    %dma_start3A_343 = arith.constant 0 : i32
    %dma_start3A_344 = arith.constant 0 : i32
    %dma_start3A_345 = tpu.memref_slice %arg6[%dma_start3A_342, %dma_start3A_343, %dma_start3A_344] : memref<4x200x128xf32, #tpu.memory_space<vmem>> -> memref<1x200x128xf32, #tpu.memory_space<vmem>>
    %dma_start3A_346 = tpu.memref_squeeze %dma_start3A_345 : memref<1x200x128xf32, #tpu.memory_space<vmem>> -> memref<200x128xf32, #tpu.memory_space<vmem>>
    %dma_start3A_347 = arith.constant 0 : i32
    %dma_start3A_348 = tpu.memref_slice %arg4[%add3A_341, %dma_start3A_347] : memref<819200x128xf32, #tpu.memory_space<hbm>> -> memref<200x128xf32, #tpu.memory_space<hbm>>
    %dma_start3A_349 = arith.constant 0 : i32
    %dma_start3A_350 = tpu.memref_slice %arg4[%add3A_341, %dma_start3A_349] : memref<819200x128xf32, #tpu.memory_space<hbm>> -> memref<200x128xf32, #tpu.memory_space<hbm>>
    %dma_start3A_351 = arith.constant 0 : i32
    %dma_start3A_352 = arith.constant 0 : i32
    %dma_start3A_353 = tpu.memref_slice %arg6[%dma_start3A_342, %dma_start3A_351, %dma_start3A_352] : memref<4x200x128xf32, #tpu.memory_space<vmem>> -> memref<1x200x128xf32, #tpu.memory_space<vmem>>
    %dma_start3A_354 = tpu.memref_squeeze %dma_start3A_353 : memref<1x200x128xf32, #tpu.memory_space<vmem>> -> memref<200x128xf32, #tpu.memory_space<vmem>>
    tpu.enqueue_dma source(%dma_start3A_354 : memref<200x128xf32, #tpu.memory_space<vmem>>) target(%dma_start3A_350 : memref<200x128xf32, #tpu.memory_space<hbm>>) target_semaphore(%arg13 : memref<!tpu.dma_semaphore, #tpu.memory_space<semaphore_mem>>)
    %dma_wait3A_355 = arith.constant 3 : i32
    %dma_wait3A_356 = arith.constant 0 : i32
    %dma_wait3A_357 = arith.constant 0 : i32
    %dma_wait3A_358 = tpu.memref_slice %arg6[%dma_wait3A_355, %dma_wait3A_356, %dma_wait3A_357] : memref<4x200x128xf32, #tpu.memory_space<vmem>> -> memref<1x200x128xf32, #tpu.memory_space<vmem>>
    %dma_wait3A_359 = tpu.memref_squeeze %dma_wait3A_358 : memref<1x200x128xf32, #tpu.memory_space<vmem>> -> memref<200x128xf32, #tpu.memory_space<vmem>>
    %dma_wait3A_360 = arith.constant 0 : i32
    %dma_wait3A_361 = arith.constant 0 : i32
    %dma_wait3A_362 = tpu.memref_slice %arg3[%dma_wait3A_360, %dma_wait3A_361] : memref<100000x128xf32, #tpu.memory_space<hbm>> -> memref<200x128xf32, #tpu.memory_space<hbm>>
    %dma_wait3A_363 = arith.constant 0 : i32
    %dma_wait3A_364 = arith.constant 0 : i32
    %dma_wait3A_365 = tpu.memref_slice %arg6[%dma_wait3A_355, %dma_wait3A_363, %dma_wait3A_364] : memref<4x200x128xf32, #tpu.memory_space<vmem>> -> memref<1x200x128xf32, #tpu.memory_space<vmem>>
    %dma_wait3A_366 = tpu.memref_squeeze %dma_wait3A_365 : memref<1x200x128xf32, #tpu.memory_space<vmem>> -> memref<200x128xf32, #tpu.memory_space<vmem>>
    %dma_wait3A_367 = arith.constant 0 : i32
    %dma_wait3A_368 = arith.constant 0 : i32
    %dma_wait3A_369 = tpu.memref_slice %arg3[%dma_wait3A_367, %dma_wait3A_368] : memref<100000x128xf32, #tpu.memory_space<hbm>> -> memref<200x128xf32, #tpu.memory_space<hbm>>
    tpu.wait_dma2 semaphore(%arg10 : memref<!tpu.dma_semaphore, #tpu.memory_space<semaphore_mem>>) src(%dma_wait3A_369 : memref<200x128xf32, #tpu.memory_space<hbm>>) dst(%dma_wait3A_366 : memref<200x128xf32, #tpu.memory_space<vmem>>)
    %add3A_370 = arith.constant 25400 : i32
    %add3A_371 = arith.addi %mul3A_2, %add3A_370 : i32
    %dma_start3A_372 = arith.constant 3 : i32
    %dma_start3A_373 = arith.constant 0 : i32
    %dma_start3A_374 = arith.constant 0 : i32
    %dma_start3A_375 = tpu.memref_slice %arg6[%dma_start3A_372, %dma_start3A_373, %dma_start3A_374] : memref<4x200x128xf32, #tpu.memory_space<vmem>> -> memref<1x200x128xf32, #tpu.memory_space<vmem>>
    %dma_start3A_376 = tpu.memref_squeeze %dma_start3A_375 : memref<1x200x128xf32, #tpu.memory_space<vmem>> -> memref<200x128xf32, #tpu.memory_space<vmem>>
    %dma_start3A_377 = arith.constant 0 : i32
    %dma_start3A_378 = tpu.memref_slice %arg4[%add3A_371, %dma_start3A_377] : memref<819200x128xf32, #tpu.memory_space<hbm>> -> memref<200x128xf32, #tpu.memory_space<hbm>>
    %dma_start3A_379 = arith.constant 0 : i32
    %dma_start3A_380 = tpu.memref_slice %arg4[%add3A_371, %dma_start3A_379] : memref<819200x128xf32, #tpu.memory_space<hbm>> -> memref<200x128xf32, #tpu.memory_space<hbm>>
    %dma_start3A_381 = arith.constant 0 : i32
    %dma_start3A_382 = arith.constant 0 : i32
    %dma_start3A_383 = tpu.memref_slice %arg6[%dma_start3A_372, %dma_start3A_381, %dma_start3A_382] : memref<4x200x128xf32, #tpu.memory_space<vmem>> -> memref<1x200x128xf32, #tpu.memory_space<vmem>>
    %dma_start3A_384 = tpu.memref_squeeze %dma_start3A_383 : memref<1x200x128xf32, #tpu.memory_space<vmem>> -> memref<200x128xf32, #tpu.memory_space<vmem>>
    tpu.enqueue_dma source(%dma_start3A_384 : memref<200x128xf32, #tpu.memory_space<vmem>>) target(%dma_start3A_380 : memref<200x128xf32, #tpu.memory_space<hbm>>) target_semaphore(%arg14 : memref<!tpu.dma_semaphore, #tpu.memory_space<semaphore_mem>>)
    %dma_wait3A_385 = arith.constant 0 : i32
    %dma_wait3A_386 = arith.constant 0 : i32
    %dma_wait3A_387 = arith.constant 0 : i32
    %dma_wait3A_388 = tpu.memref_slice %arg6[%dma_wait3A_385, %dma_wait3A_386, %dma_wait3A_387] : memref<4x200x128xf32, #tpu.memory_space<vmem>> -> memref<1x200x128xf32, #tpu.memory_space<vmem>>
    %dma_wait3A_389 = tpu.memref_squeeze %dma_wait3A_388 : memref<1x200x128xf32, #tpu.memory_space<vmem>> -> memref<200x128xf32, #tpu.memory_space<vmem>>
    %dma_wait3A_390 = arith.constant 0 : i32
    %dma_wait3A_391 = arith.constant 0 : i32
    %dma_wait3A_392 = tpu.memref_slice %arg3[%dma_wait3A_390, %dma_wait3A_391] : memref<100000x128xf32, #tpu.memory_space<hbm>> -> memref<200x128xf32, #tpu.memory_space<hbm>>
    %dma_wait3A_393 = arith.constant 0 : i32
    %dma_wait3A_394 = arith.constant 0 : i32
    %dma_wait3A_395 = tpu.memref_slice %arg6[%dma_wait3A_385, %dma_wait3A_393, %dma_wait3A_394] : memref<4x200x128xf32, #tpu.memory_space<vmem>> -> memref<1x200x128xf32, #tpu.memory_space<vmem>>
    %dma_wait3A_396 = tpu.memref_squeeze %dma_wait3A_395 : memref<1x200x128xf32, #tpu.memory_space<vmem>> -> memref<200x128xf32, #tpu.memory_space<vmem>>
    %dma_wait3A_397 = arith.constant 0 : i32
    %dma_wait3A_398 = arith.constant 0 : i32
    %dma_wait3A_399 = tpu.memref_slice %arg3[%dma_wait3A_397, %dma_wait3A_398] : memref<100000x128xf32, #tpu.memory_space<hbm>> -> memref<200x128xf32, #tpu.memory_space<hbm>>
    tpu.wait_dma2 semaphore(%arg11 : memref<!tpu.dma_semaphore, #tpu.memory_space<semaphore_mem>>) src(%dma_wait3A_399 : memref<200x128xf32, #tpu.memory_space<hbm>>) dst(%dma_wait3A_396 : memref<200x128xf32, #tpu.memory_space<vmem>>)
    %dma_wait3A_400 = arith.constant 1 : i32
    %dma_wait3A_401 = arith.constant 0 : i32
    %dma_wait3A_402 = arith.constant 0 : i32
    %dma_wait3A_403 = tpu.memref_slice %arg6[%dma_wait3A_400, %dma_wait3A_401, %dma_wait3A_402] : memref<4x200x128xf32, #tpu.memory_space<vmem>> -> memref<1x200x128xf32, #tpu.memory_space<vmem>>
    %dma_wait3A_404 = tpu.memref_squeeze %dma_wait3A_403 : memref<1x200x128xf32, #tpu.memory_space<vmem>> -> memref<200x128xf32, #tpu.memory_space<vmem>>
    %dma_wait3A_405 = arith.constant 0 : i32
    %dma_wait3A_406 = arith.constant 0 : i32
    %dma_wait3A_407 = tpu.memref_slice %arg3[%dma_wait3A_405, %dma_wait3A_406] : memref<100000x128xf32, #tpu.memory_space<hbm>> -> memref<200x128xf32, #tpu.memory_space<hbm>>
    %dma_wait3A_408 = arith.constant 0 : i32
    %dma_wait3A_409 = arith.constant 0 : i32
    %dma_wait3A_410 = tpu.memref_slice %arg6[%dma_wait3A_400, %dma_wait3A_408, %dma_wait3A_409] : memref<4x200x128xf32, #tpu.memory_space<vmem>> -> memref<1x200x128xf32, #tpu.memory_space<vmem>>
    %dma_wait3A_411 = tpu.memref_squeeze %dma_wait3A_410 : memref<1x200x128xf32, #tpu.memory_space<vmem>> -> memref<200x128xf32, #tpu.memory_space<vmem>>
    %dma_wait3A_412 = arith.constant 0 : i32
    %dma_wait3A_413 = arith.constant 0 : i32
    %dma_wait3A_414 = tpu.memref_slice %arg3[%dma_wait3A_412, %dma_wait3A_413] : memref<100000x128xf32, #tpu.memory_space<hbm>> -> memref<200x128xf32, #tpu.memory_space<hbm>>
    tpu.wait_dma2 semaphore(%arg12 : memref<!tpu.dma_semaphore, #tpu.memory_space<semaphore_mem>>) src(%dma_wait3A_414 : memref<200x128xf32, #tpu.memory_space<hbm>>) dst(%dma_wait3A_411 : memref<200x128xf32, #tpu.memory_space<vmem>>)
    %dma_wait3A_415 = arith.constant 2 : i32
    %dma_wait3A_416 = arith.constant 0 : i32
    %dma_wait3A_417 = arith.constant 0 : i32
    %dma_wait3A_418 = tpu.memref_slice %arg6[%dma_wait3A_415, %dma_wait3A_416, %dma_wait3A_417] : memref<4x200x128xf32, #tpu.memory_space<vmem>> -> memref<1x200x128xf32, #tpu.memory_space<vmem>>
    %dma_wait3A_419 = tpu.memref_squeeze %dma_wait3A_418 : memref<1x200x128xf32, #tpu.memory_space<vmem>> -> memref<200x128xf32, #tpu.memory_space<vmem>>
    %dma_wait3A_420 = arith.constant 0 : i32
    %dma_wait3A_421 = arith.constant 0 : i32
    %dma_wait3A_422 = tpu.memref_slice %arg3[%dma_wait3A_420, %dma_wait3A_421] : memref<100000x128xf32, #tpu.memory_space<hbm>> -> memref<200x128xf32, #tpu.memory_space<hbm>>
    %dma_wait3A_423 = arith.constant 0 : i32
    %dma_wait3A_424 = arith.constant 0 : i32
    %dma_wait3A_425 = tpu.memref_slice %arg6[%dma_wait3A_415, %dma_wait3A_423, %dma_wait3A_424] : memref<4x200x128xf32, #tpu.memory_space<vmem>> -> memref<1x200x128xf32, #tpu.memory_space<vmem>>
    %dma_wait3A_426 = tpu.memref_squeeze %dma_wait3A_425 : memref<1x200x128xf32, #tpu.memory_space<vmem>> -> memref<200x128xf32, #tpu.memory_space<vmem>>
    %dma_wait3A_427 = arith.constant 0 : i32
    %dma_wait3A_428 = arith.constant 0 : i32
    %dma_wait3A_429 = tpu.memref_slice %arg3[%dma_wait3A_427, %dma_wait3A_428] : memref<100000x128xf32, #tpu.memory_space<hbm>> -> memref<200x128xf32, #tpu.memory_space<hbm>>
    tpu.wait_dma2 semaphore(%arg13 : memref<!tpu.dma_semaphore, #tpu.memory_space<semaphore_mem>>) src(%dma_wait3A_429 : memref<200x128xf32, #tpu.memory_space<hbm>>) dst(%dma_wait3A_426 : memref<200x128xf32, #tpu.memory_space<vmem>>)
    %dma_wait3A_430 = arith.constant 3 : i32
    %dma_wait3A_431 = arith.constant 0 : i32
    %dma_wait3A_432 = arith.constant 0 : i32
    %dma_wait3A_433 = tpu.memref_slice %arg6[%dma_wait3A_430, %dma_wait3A_431, %dma_wait3A_432] : memref<4x200x128xf32, #tpu.memory_space<vmem>> -> memref<1x200x128xf32, #tpu.memory_space<vmem>>
    %dma_wait3A_434 = tpu.memref_squeeze %dma_wait3A_433 : memref<1x200x128xf32, #tpu.memory_space<vmem>> -> memref<200x128xf32, #tpu.memory_space<vmem>>
    %dma_wait3A_435 = arith.constant 0 : i32
    %dma_wait3A_436 = arith.constant 0 : i32
    %dma_wait3A_437 = tpu.memref_slice %arg3[%dma_wait3A_435, %dma_wait3A_436] : memref<100000x128xf32, #tpu.memory_space<hbm>> -> memref<200x128xf32, #tpu.memory_space<hbm>>
    %dma_wait3A_438 = arith.constant 0 : i32
    %dma_wait3A_439 = arith.constant 0 : i32
    %dma_wait3A_440 = tpu.memref_slice %arg6[%dma_wait3A_430, %dma_wait3A_438, %dma_wait3A_439] : memref<4x200x128xf32, #tpu.memory_space<vmem>> -> memref<1x200x128xf32, #tpu.memory_space<vmem>>
    %dma_wait3A_441 = tpu.memref_squeeze %dma_wait3A_440 : memref<1x200x128xf32, #tpu.memory_space<vmem>> -> memref<200x128xf32, #tpu.memory_space<vmem>>
    %dma_wait3A_442 = arith.constant 0 : i32
    %dma_wait3A_443 = arith.constant 0 : i32
    %dma_wait3A_444 = tpu.memref_slice %arg3[%dma_wait3A_442, %dma_wait3A_443] : memref<100000x128xf32, #tpu.memory_space<hbm>> -> memref<200x128xf32, #tpu.memory_space<hbm>>
    tpu.wait_dma2 semaphore(%arg14 : memref<!tpu.dma_semaphore, #tpu.memory_space<semaphore_mem>>) src(%dma_wait3A_444 : memref<200x128xf32, #tpu.memory_space<hbm>>) dst(%dma_wait3A_441 : memref<200x128xf32, #tpu.memory_space<vmem>>)
    return
  }
}

</mosaic_0001>

<sc_bundles>
// kernel: kernel.3.cloned.1.call-start
scs
__scs_entry_jumppad:
0x0: {  	(pc) =	sbr.rel $0x88, $3  }
0x1: {  	(tag) =	ssettag $0x0;
	lr =	simm.s32 $0x1  }
0x2: {  	[smem:$0x3F9F] =	sst lr;
	_ =	strace $0xD0000000  }
0x3: {  	_ = 	snop  }
0x4: {  	_ = 	snop  }
0x5: {  	_ = 	snop  }
0x6: {  	_ = 	snop  }
0x7: {  	_ = 	snop  }
__scs_overlays_trampoline_lowered:
0x8: {  	[smem:$0x3FAE] =	sst s0  }
0x9: {  	[smem:$0x3FAF] =	sst s1  }
0xa: {  	[smem:$0x3FB0] =	sst s2  }
0xb: {  	[smem:$0x3FB1] =	sst s3  }
0xc: {  	[smem:$0x3FB2] =	sst s4  }
0xd: {  	[smem:$0x3FB3] =	sst s5  }
0xe: {  	[smem:$0x3FB4] =	sst s6  }
0xf: {  	[smem:$0x3FB5] =	sst s7  }
0x10: {  	[smem:$0x3FB6] =	sst s8  }
0x11: {  	[smem:$0x3FB7] =	sst s9;
	s0 =	simm.s32 @!p0 $0x0  }
0x12: {  	s1 =	sld [smem:$0x3F9D];
	s0 =	simm.s32 @p0 $0x1  }
0x13: {  	[smem:$0x3FB8] =	sst s0;
	s0 =	simm.s32 @!p1 $0x0  }
0x14: {  	s2 =	sld [smem:$0x3F9C];
	s0 =	simm.s32 @p1 $0x1  }
0x15: {  	[smem:$0x3FB9] =	sst s0;
	s0 =	simm.s32 @!p2 $0x0  }
0x16: {  	s3 =	sld [smem:$0x3FDB];
	s0 =	simm.s32 @p2 $0x1  }
0x17: {  	s4 =	simm.s32 $0x1BF5;
	[smem:$0x3FBB] =	sst s0  }
0x18: {  	s0 =	sld [smem:$0x3F9E];
	_ =	swait.ge [sflag:s4], $0x0  }
0x19: {  	s7 =	sld [smem:$0x3F9F]  }
0x1a: {  	s8 =	sadd.s32 $0xFFFFE003, lr  }
0x1b: {  	s9 =	sadd.s32 $0xFFFFFEF7, lr;
	s5 =	simm.s32 $0xFFFFFFFF;
	p2 =	slt.u32 s8, $0xFFFFF086  }
0x1c: {  	p1 =	slt.u32 s9, $0xF7A;
	s5 =	simm.s32 @!p2 $0x0  }
0x1d: {  	s5 =	simm.s32 @p1 $0x1;
	p0 =	seq.s32 s7, s2  }
0x1e: {  	s7 =	smul.u32 @!p0 $0xF7A, s2;
	p2 =	seq.s32 @!p0 s5, $0x0  }
0x1f: {  	s9 =	smul.u32 $0xF7A, s1;
	s8 =	simm.s32 @!p0 $0x1BF5;
	p2 =	por !p2, p0  }
0x20: {  	[sflag:s8] =	ssyncset.s32 @!p0 $0xFFFFF086;
	s6 =	sadd.s32 @!p0 s3, s7;
	s7 =	simm.s32 @!p0 $0x108  }
0x21: {  	s3 =	sadd.s32 s3, s9;
	s6 =	sadd.s32 @!p0 $0x88, s6;
	s7 =	simm.s32 @p2 $0x1082  }
0x22: {  	[simem:s7], [sflag:s8] =	dma.local @!p0 [hbm:s6], $0xF7A  }
0x23: {  	s9 =	sor.u32 $0xD0000000, s2;
	s6 =	simm.s32 $0x108;
	_ =	swait.ge @!p0 [sflag:s8], $0x0  }
0x24: {  	s3 =	sadd.s32 $0x88, s3;
	s6 =	simm.s32 @!p1 $0x1082;
	[sflag:s4] =	ssyncset.s32 $0xFFFFF086  }
0x25: {  	[simem:s6], [sflag:s4] =	dma.local [hbm:s3], $0xF7A  }
0x26: {  	[smem:$0x3F9F] =	sst s1;
	(tag) =	ssettag s2;
	_ =	strace s9  }
0x27: {  	s1 =	sld [smem:$0x3FAF]  }
0x28: {  	s2 =	sld [smem:$0x3FB0]  }
0x29: {  	s4 =	sld [smem:$0x3FB2]  }
0x2a: {  	p0 =	seq.s32 s5, $0x0;
	s5 =	sld [smem:$0x3FB3]  }
0x2b: {  	s6 =	sld [smem:$0x3FB4]  }
0x2c: {  	s7 =	sld [smem:$0x3FB5]  }
0x2d: {  	s3 =	simm.s32 $0x108;
	s8 =	sld [smem:$0x3FB6]  }
0x2e: {  	s3 =	simm.s32 @!p0 $0x1082;
	s9 =	sld [smem:$0x3FB7]  }
0x2f: {  	lr =	sadd.s32 s0, s3;
	s0 =	sld [smem:$0x3FAE]  }
0x30: {  	s3 =	sld [smem:$0x3FB1]  }
0x31: {  	[smem:$0x3FBA] =	sst s10  }
0x32: {  	s10 =	sld [smem:$0x3FB8];
	_ =	sdelay $0x3  }
0x33: {  	p0 =	seq.s32 s10, $0x1;
	s10 =	sld [smem:$0x3FBA];
	_ =	sdelay $0x3  }
0x34: {  	[smem:$0x3FBA] =	sst s10  }
0x35: {  	s10 =	sld [smem:$0x3FB9];
	_ =	sdelay $0x3  }
0x36: {  	p1 =	seq.s32 s10, $0x1;
	s10 =	sld [smem:$0x3FBA];
	_ =	sdelay $0x3  }
0x37: {  	[smem:$0x3FBA] =	sst s10  }
0x38: {  	s10 =	sld [smem:$0x3FBB]  }
0x39: {  	_ = 	snop;
	(pc) =	sbr.ind lr, $3  }
0x3a: {  	_ = 	snop  }
0x3b: {  	_ = 	snop  }
0x3c: {  	p2 =	seq.s32 s10, $0x1;
	s10 =	sld [smem:$0x3FBA]  }
0x3d: {  	_ =	shalt  }
0x3e: {  	_ =	shalt  }
0x3f: {  	_ =	shalt  }
0x40: {  	_ =	shalt  }
0x41: {  	_ =	shalt  }
0x42: {  	_ =	shalt  }
0x43: {  	_ =	shalt  }
0x44: {  	_ =	shalt  }
0x45: {  	_ =	shalt  }
0x46: {  	_ =	shalt  }
0x47: {  	_ =	shalt  }
0x48: {  	_ =	shalt  }
0x49: {  	_ =	shalt  }
0x4a: {  	_ =	shalt  }
0x4b: {  	_ =	shalt  }
0x4c: {  	_ =	shalt  }
0x4d: {  	_ =	shalt  }
0x4e: {  	_ =	shalt  }
0x4f: {  	_ =	shalt  }
0x50: {  	_ =	shalt  }
0x51: {  	_ =	shalt  }
0x52: {  	_ =	shalt  }
0x53: {  	_ =	shalt  }
0x54: {  	_ =	shalt  }
0x55: {  	_ =	shalt  }
0x56: {  	_ =	shalt  }
0x57: {  	_ =	shalt  }
0x58: {  	_ =	shalt  }
0x59: {  	_ =	shalt  }
0x5a: {  	_ =	shalt  }
0x5b: {  	_ =	shalt  }
0x5c: {  	_ =	shalt  }
0x5d: {  	_ =	shalt  }
0x5e: {  	_ =	shalt  }
0x5f: {  	_ =	shalt  }
0x60: {  	_ =	shalt  }
0x61: {  	_ =	shalt  }
0x62: {  	_ =	shalt  }
0x63: {  	_ =	shalt  }
0x64: {  	_ =	shalt  }
0x65: {  	_ =	shalt  }
0x66: {  	_ =	shalt  }
0x67: {  	_ =	shalt  }
0x68: {  	_ =	shalt  }
0x69: {  	_ =	shalt  }
0x6a: {  	_ =	shalt  }
0x6b: {  	_ =	shalt  }
0x6c: {  	_ =	shalt  }
0x6d: {  	_ =	shalt  }
0x6e: {  	_ =	shalt  }
0x6f: {  	_ =	shalt  }
0x70: {  	_ =	shalt  }
0x71: {  	_ =	shalt  }
0x72: {  	_ =	shalt  }
0x73: {  	_ =	shalt  }
0x74: {  	_ =	shalt  }
0x75: {  	_ =	shalt  }
0x76: {  	_ =	shalt  }
0x77: {  	_ =	shalt  }
0x78: {  	_ =	shalt  }
0x79: {  	_ =	shalt  }
0x7a: {  	_ =	shalt  }
0x7b: {  	_ =	shalt  }
0x7c: {  	_ =	shalt  }
0x7d: {  	_ =	shalt  }
0x7e: {  	_ =	shalt  }
0x7f: {  	_ =	shalt  }
0x80: {  	_ =	shalt  }
0x81: {  	_ =	shalt  }
0x82: {  	_ =	shalt  }
0x83: {  	_ =	shalt  }
0x84: {  	_ =	shalt  }
0x85: {  	_ =	shalt  }
0x86: {  	_ =	shalt  }
0x87: {  	_ =	shalt  }
.Lfunc_end0:
.L_simem_size_0:
called_computation_lowered:
.L_overlay_start_0:
0x88: {  	s2 =	sld [smem:$0x3FD9]  }
0x89: {  	s3 =	sld [smem:$0x3FFE];
	_ =	sdelay $0x1  }
0x8a: {  	s1 =	srdreg.scid  }
0x8b: {  	s0 =	sand.u32 $0x1, s1  }
0x8c: {  	s17 =	sshll.u32 s0, $0xA;
	s2 =	sadd.s32 s3, s2  }
0x8d: {  	s2 =	sadd.s32 s2, s17  }
0x8e: {  	[smem:$0x3FC6] =	sst s2  }
0x8f: {  	_ = 	snop  }
0x90: {  	s2 =	sld [smem:$0x3FC8]  }
0x91: {  	s18 =	sld [smem:$0x3FD0];
	(tm) =	ssettm $0x1  }
0x92: {  	s4 =	sld [smem:$0x3FFB];
	_ =	sdelay $0x3  }
0x93: {  	_ =	strace s4  }
0x94: {  	s4 =	sld [smem:$0x3FFC];
	_ =	sdelay $0x3  }
0x95: {  	_ =	strace s4  }
0x96: {  	s4 =	sld [smem:$0x3FFD];
	_ =	sdelay $0x3  }
0x97: {  	_ =	strace s4  }
0x98: {  	_ =	strace $0x8FFFFFFF  }
0x99: {  	s19 =	sld [smem:$0x3FDB];
	_ =	sdelay $0x1  }
0x9a: {  	s5 =	simm.s32 $_scs_section_size  }
0x9b: {  	s6 =	simm.s32 $_size__tile_overlayer_lowered;
	s7 =	simm.s32 $_tile_overlayer_lowered  }
0x9c: {  	s22 =	simm.s32 $0x1BFF;
	s21 =	sshll.u32 s7, $0x1;
	s4 =	sadd.s32 s5, s19  }
0x9d: {  	s8 =	simm.s32 $0x0;
	s20 =	sshll.u32 s6, $0x1;
	s6 =	sadd.s32 s21, s4  }
0x9e: {  	[timem:s8], [sflag:s22] =	dma.local [hbm:s6], s20  }
0x9f: {  	_ =	swait.ge [sflag:s22], s20  }
0xa0: {  	s5 =	ssub.s32 $0x0, s20;
	[sflag:s22] =	ssyncset.done $0x0  }
0xa1: {  	[sflag:s22] =	ssyncadd.s32 s5;
	_ =	sdelay $0x1  }
0xa2: {  	s23 =	simm.s32 $0x1B8B  }
0xa3: {  	_ =	swait.ge [sflag:s23], $0x1  }
0xa4: {  	[sflag:s23] =	ssyncset.done $0x0  }
0xa5: {  	s25 =	simm.s32 $0x1B8E;
	s24 =	sld [smem:$0x3FFE];
	[sflag:s23] =	ssyncadd.s32 $0xFFFFFFFF  }
0xa6: {  	s26 =	simm.s32 $execute0_lowered;
	[smem:$0x3FD2] =	sst s25  }
0xa7: {  	s6 =	sshll.u32 s26, $0x1;
	_ =	strace $0x80000046;
	[dreg:$0x1] =	wrdreg $0xFFFFFFFF  }
0xa8: {  	s28 =	simm.s32 $_size_execute0_lowered;
	s4 =	sadd.s32 s4, s6;
	[dreg:$0x0] =	wrdreg $0x0  }
0xa9: {  	s6 =	sshll.u32 s28, $0x1;
	[dreg:$0x2] =	wrdreg s4  }
0xaa: {  	[dreg:$0x3] =	wrdreg s6  }
0xab: {  	[dreg:$0x4] =	wrdreg $0xC0  }
0xac: {  	_ =	task [dreg:s8], $0x5FFFF  }
0xad: {  	[dreg:$0x1] =	wrdreg $0xFFFFFFFF  }
0xae: {  	[dreg:$0x0] =	wrdreg $0x60  }
0xaf: {  	[dreg:$0x2] =	wrdreg s24  }
0xb0: {  	[dreg:$0x3] =	wrdreg s2  }
0xb1: {  	[dreg:$0x4] =	wrdreg s18  }
0xb2: {  	[dreg:$0x5] =	wrdreg $0x9  }
0xb3: {  	_ =	task.clear_ibuf [dreg:s8], $0x6FFFF;
	_ =	strace $0x90000046  }
0xb4: {  	s29 =	simm.s32 $0x9;
	_ =	strace $0x80000048  }
0xb5: {  	_ =	swait.ge [sflag:s29], $0x1  }
0xb6: {  	[sflag:s29] =	ssyncadd.s32 $0xFFFFFFFF  }
0xb7: {  	_ =	strace $0x90000048  }
0xb8: {  	_ =	sfence  }
0xb9: {  	s30 =	sld [smem:$0x0];
	_ =	sdelay $0x2  }
0xba: {  	s31 =	sshll.u32 s1, $0xD;
	s1 =	sshrl.u32 s1, $0x2  }
0xbb: {  	s3 =	sand.u32 $0x4000, s31;
	s1 =	sadd.s32 s1, s30  }
0xbc: {  	s0 =	sor.u32 s3, s0;
	s1 =	sshll.u32 s1, $0x11  }
0xbd: {  	s0 =	sor.u32 s1, s0  }
0xbe: {  	s0 =	sadd.s32 $0x8F2B, s0  }
0xbf: {  	[sflag:s0] =	ssyncadd.remote.s32 $0x1  }
0xc0: {  	_ =	sfence.sel $0xFFFF  }
0xc1: {  	[dreg:$0x0] =	wrdreg $0xFFFFFFFF;
	(pc) =	sbr.abs _section_cstart, $3  }
0xc2: {  	[dreg:$0x1] =	wrdreg $0xFFFFFFFF  }
0xc3: {  	_ =	task.clear_ibuf [dreg:s8], $0x2FFFF;
	_ =	strace $0x9FFFFFFF  }
0xc4: {  	(tm) =	ssettm $0x7FFFFFFF  }
0xc5: {  	_ =	shalt  }
tec
execute0_lowered:
.L_overlay_start_1:
0x0: {  	(tag) =	ssettag $0x1  }
0x1: {  	s0 =	rddreg [dreg:$0x0]  }
0x2: {  	s2 =	rddreg [dreg:$0x1]  }
0x3: {  	s1 =	srdreg.scid;
	s9 =	stileid.u32  }
0x4: {  	s10 =	rddreg [dreg:$0x2];
	s3 =	simm.s32 $0x0;
	s15 =	simm.s32 $0x9  }
0x5: {  	s16 =	simm.s32 $0xC8;
	s17 =	simm.s32 $0x6400;
	s18 =	simm.s32 $0xC800  }
0x6: {  	s19 =	simm.s32 $0x1;
	s21 =	simm.s32 $0x12C00;
	s22 =	simm.s32 $0x2  }
0x7: {  	s24 =	simm.s32 $0x19000;
	s25 =	simm.s32 $0x3;
	s29 =	simm.s32 $0x4  }
0x8: {  	s1 =	sand.u32 $0x1, s1;
	s4 =	sshll.u32 s9, $0x1;
	s11 =	smul.u32 $0xC8000, s9  }
0x9: {  	s4 =	sor.u32 s1, s4;
	s6 =	ssub.s32 $0x2, s1;
	s1 =	smul.u32 $0x64000, s1  }
0xa: {  	s30 =	simm.s32 $0x6;
	[smem:$0x7FF] =	sst s3;
	s5 =	smul.u32 $0x6400, s4  }
0xb: {  	s28 =	simm.s32 $0x0;
	_ =	strace $0x80000047;
	s7 =	smul.u32 $0x64000, s4  }
0xc: {  	s26 =	sshrl.u32 s6, $0x1;
	s8 =	smul.u32 $0x320000, s4;
	s12 =	sadd.s32 s11, s10  }
0xd: {  	s13 =	ssub.s32 s6, s26;
	s1 =	sadd.s32 s1, s12;
	s26 =	simm.s32 $0x5  }
0xe: {  	s5 =	sshrl.u32 s5, $0x3;
	s31 =	sshrl.u32 s8, $0x3;
	s13 =	smax.u32 s13, $0x1  }
0xf: {  	s14 =	sadd.s32 $0x3200, s1;
	s0 =	sadd.s32 s5, s0;
	s5 =	sadd.s32 s10, s7  }
0x10: {  	s1 =	simm.s32 $0x7;
	s0 =	sadd.s32 $0x400, s0;
	s6 =	sadd.s32 $0xC80, s5  }
0x11: {  	s7 =	sadd.s32 $0x1900, s5;
	[dreg:$0x4] =	wrdreg s0;
	s0 =	sadd.s32 s10, s31  }
0x12: {  	s8 =	sadd.s32 $0x2580, s5;
	s9 =	sadd.s32 $0x60E00, s0;
	s10 =	sadd.s32 $0x61A80, s0  }
0x13: {  	s11 =	sadd.s32 $0x62700, s0;
	s12 =	sadd.s32 $0x63380, s0;
	s0 =	simm.s32 $0x8  }
.LBB2_1:
0x14: {  	s4 =	rddreg [dreg:$0x4]  }
0x15: {  	[tilespmem:s3], [sflag:$0x9] =	stream.linear.gather [hbm4b:s4+s3], $0x6400, $0x38;
	[tilespmem:$0x1F400] =	vst v63  }
0x16: {  	_ =	swait.ge [sflag:s15], $0x6400  }
0x17: {  	[sflag:s15] =	ssyncset.done $0x0  }
0x18: {  	[sflag:s15] =	ssyncadd.s32 $0xFFFF9C00  }
0x19: {  	[tilespmem:s17], [sflag:$0x1] =	stream.indirect.gather [hbm4b:s2+s16], $0x80, s3, s16, $0xb8;
	[tilespmem:$0x1F400] =	vst v63  }
0x1a: {  	_ = 	snop  }
0x1b: {  	[tilespmem:s18], [sflag:$0x2] =	stream.indirect.gather [hbm4b:s2+s16], $0x80, s16, s16, $0xb8;
	[tilespmem:$0x1F400] =	vst v63  }
0x1c: {  	_ =	swait.ge [sflag:s19], $0x6400  }
0x1d: {  	[sflag:s19] =	ssyncset.done $0x0  }
0x1e: {  	[sflag:s19] =	ssyncadd.s32 $0xFFFF9C00  }
0x1f: {  	[hbm4b:s5+s3] =	stream.linear.scatter [tilespmem:s17], [sflag:$0x5], $0x6400, $0x38;
	[tilespmem:$0x1F400] =	vst v63  }
0x20: {  	s23 =	simm.s32 $0x190  }
0x21: {  	[tilespmem:s21], [sflag:$0x3] =	stream.indirect.gather [hbm4b:s2+s16], $0x80, s23, s16, $0xb8;
	[tilespmem:$0x1F400] =	vst v63  }
0x22: {  	_ =	swait.ge [sflag:s22], $0x6400  }
0x23: {  	[sflag:s22] =	ssyncset.done $0x0  }
0x24: {  	[sflag:s22] =	ssyncadd.s32 $0xFFFF9C00  }
0x25: {  	[hbm4b:s6+s3] =	stream.linear.scatter [tilespmem:s18], [sflag:$0x6], $0x6400, $0x38;
	[tilespmem:$0x1F400] =	vst v63  }
0x26: {  	s20 =	simm.s32 $0x258  }
0x27: {  	[tilespmem:s24], [sflag:$0x4] =	stream.indirect.gather [hbm4b:s2+s16], $0x80, s20, s16, $0xb8;
	[tilespmem:$0x1F400] =	vst v63  }
0x28: {  	_ =	swait.ge [sflag:s25], $0x6400  }
0x29: {  	[sflag:s25] =	ssyncset.done $0x0  }
0x2a: {  	[sflag:s25] =	ssyncadd.s32 $0xFFFF9C00  }
0x2b: {  	[hbm4b:s7+s3] =	stream.linear.scatter [tilespmem:s21], [sflag:$0x7], $0x6400, $0x38;
	[tilespmem:$0x1F400] =	vst v63  }
0x2c: {  	_ =	swait.ge [sflag:s26], $0x6400  }
0x2d: {  	[sflag:s26] =	ssyncset.done $0x0  }
0x2e: {  	s23 =	simm.s32 $0x320;
	[sflag:s26] =	ssyncadd.s32 $0xFFFF9C00  }
0x2f: {  	[tilespmem:s17], [sflag:$0x1] =	stream.indirect.gather [hbm4b:s2+s16], $0x80, s23, s16, $0xb8;
	[tilespmem:$0x1F400] =	vst v63  }
0x30: {  	_ =	swait.ge [sflag:s29], $0x6400  }
0x31: {  	[sflag:s29] =	ssyncset.done $0x0  }
0x32: {  	[sflag:s29] =	ssyncadd.s32 $0xFFFF9C00  }
0x33: {  	[hbm4b:s8+s3] =	stream.linear.scatter [tilespmem:s24], [sflag:$0x8], $0x6400, $0x38;
	[tilespmem:$0x1F400] =	vst v63  }
0x34: {  	_ =	swait.ge [sflag:s30], $0x6400  }
0x35: {  	[sflag:s30] =	ssyncset.done $0x0  }
0x36: {  	s20 =	simm.s32 $0x3E8;
	[sflag:s30] =	ssyncadd.s32 $0xFFFF9C00  }
0x37: {  	[tilespmem:s18], [sflag:$0x2] =	stream.indirect.gather [hbm4b:s2+s16], $0x80, s20, s16, $0xb8;
	[tilespmem:$0x1F400] =	vst v63  }
0x38: {  	_ =	swait.ge [sflag:s19], $0x6400  }
0x39: {  	[sflag:s19] =	ssyncset.done $0x0  }
0x3a: {  	[sflag:s19] =	ssyncadd.s32 $0xFFFF9C00  }
0x3b: {  	[hbm4b:s14+s3] =	stream.linear.scatter [tilespmem:s17], [sflag:$0x5], $0x6400, $0x38;
	[tilespmem:$0x1F400] =	vst v63  }
0x3c: {  	_ =	swait.ge [sflag:s1], $0x6400  }
0x3d: {  	[sflag:s1] =	ssyncset.done $0x0  }
0x3e: {  	s20 =	simm.s32 $0x4B0;
	[sflag:s1] =	ssyncadd.s32 $0xFFFF9C00  }
0x3f: {  	[tilespmem:s21], [sflag:$0x3] =	stream.indirect.gather [hbm4b:s2+s16], $0x80, s20, s16, $0xb8;
	[tilespmem:$0x1F400] =	vst v63  }
0x40: {  	_ =	swait.ge [sflag:s22], $0x6400  }
0x41: {  	[sflag:s22] =	ssyncset.done $0x0  }
0x42: {  	s23 =	sadd.s32 $0xC80, s14;
	[sflag:s22] =	ssyncadd.s32 $0xFFFF9C00  }
0x43: {  	[hbm4b:s23+s3] =	stream.linear.scatter [tilespmem:s18], [sflag:$0x6], $0x6400, $0x38;
	[tilespmem:$0x1F400] =	vst v63  }
0x44: {  	_ =	swait.ge [sflag:s0], $0x6400  }
0x45: {  	[sflag:s0] =	ssyncset.done $0x0  }
0x46: {  	s4 =	simm.s32 $0x578;
	[sflag:s0] =	ssyncadd.s32 $0xFFFF9C00  }
0x47: {  	[tilespmem:s24], [sflag:$0x4] =	stream.indirect.gather [hbm4b:s2+s16], $0x80, s4, s16, $0xb8;
	[tilespmem:$0x1F400] =	vst v63  }
0x48: {  	_ =	swait.ge [sflag:s25], $0x6400  }
0x49: {  	[sflag:s25] =	ssyncset.done $0x0  }
0x4a: {  	s23 =	sadd.s32 $0x1900, s14;
	[sflag:s25] =	ssyncadd.s32 $0xFFFF9C00  }
0x4b: {  	[hbm4b:s23+s3] =	stream.linear.scatter [tilespmem:s21], [sflag:$0x7], $0x6400, $0x38;
	[tilespmem:$0x1F400] =	vst v63  }
0x4c: {  	_ =	swait.ge [sflag:s26], $0x6400  }
0x4d: {  	[sflag:s26] =	ssyncset.done $0x0  }
0x4e: {  	s4 =	simm.s32 $0x640;
	[sflag:s26] =	ssyncadd.s32 $0xFFFF9C00  }
0x4f: {  	[tilespmem:s17], [sflag:$0x1] =	stream.indirect.gather [hbm4b:s2+s16], $0x80, s4, s16, $0xb8;
	[tilespmem:$0x1F400] =	vst v63  }
0x50: {  	_ =	swait.ge [sflag:s29], $0x6400  }
0x51: {  	[sflag:s29] =	ssyncset.done $0x0  }
0x52: {  	s23 =	sadd.s32 $0x2580, s14;
	[sflag:s29] =	ssyncadd.s32 $0xFFFF9C00  }
0x53: {  	[hbm4b:s23+s3] =	stream.linear.scatter [tilespmem:s24], [sflag:$0x8], $0x6400, $0x38;
	[tilespmem:$0x1F400] =	vst v63  }
0x54: {  	_ =	swait.ge [sflag:s30], $0x6400  }
0x55: {  	s31 =	simm.s32 $0xC80;
	[sflag:s30] =	ssyncset.done $0x0  }
0x56: {  	s20 =	sadd.s32 $0x3200, s14;
	s23 =	simm.s32 $0x708;
	[sflag:s30] =	ssyncadd.s32 $0xFFFF9C00  }
.LBB2_2:
0x57: {  	[tilespmem:s18], [sflag:$0x2] =	stream.indirect.gather [hbm4b:s2+s16], $0x80, s23, s16, $0xb8;
	[tilespmem:$0x1F400] =	vst v63  }
0x58: {  	s23 =	smov.u32 s31  }
0x59: {  	p0 =	sne.s32 s31, $0x16A80;
	s31 =	sadd.s32 $0xC80, s31;
	_ =	swait.ge [sflag:s19], $0x6400  }
0x5a: {  	[sflag:s19] =	ssyncset.done $0x0  }
0x5b: {  	[sflag:s19] =	ssyncadd.s32 $0xFFFF9C00  }
0x5c: {  	[hbm4b:s20+s3] =	stream.linear.scatter [tilespmem:s17], [sflag:$0x5], $0x6400, $0x38;
	[tilespmem:$0x1F400] =	vst v63  }
0x5d: {  	_ =	swait.ge [sflag:s1], $0x6400  }
0x5e: {  	s23 =	sshra.s32 s23, $0x2;
	[sflag:s1] =	ssyncset.done $0x0  }
0x5f: {  	s4 =	sadd.s32 $0x4B0, s23;
	[sflag:s1] =	ssyncadd.s32 $0xFFFF9C00  }
0x60: {  	[tilespmem:s21], [sflag:$0x3] =	stream.indirect.gather [hbm4b:s2+s16], $0x80, s4, s16, $0xb8;
	[tilespmem:$0x1F400] =	vst v63  }
0x61: {  	_ =	swait.ge [sflag:s22], $0x6400  }
0x62: {  	[sflag:s22] =	ssyncset.done $0x0  }
0x63: {  	s4 =	sadd.s32 $0xC80, s20;
	[sflag:s22] =	ssyncadd.s32 $0xFFFF9C00  }
0x64: {  	[hbm4b:s4+s3] =	stream.linear.scatter [tilespmem:s18], [sflag:$0x6], $0x6400, $0x38;
	[tilespmem:$0x1F400] =	vst v63  }
0x65: {  	_ =	swait.ge [sflag:s0], $0x6400  }
0x66: {  	[sflag:s0] =	ssyncset.done $0x0  }
0x67: {  	s4 =	sadd.s32 $0x578, s23;
	[sflag:s0] =	ssyncadd.s32 $0xFFFF9C00  }
0x68: {  	[tilespmem:s24], [sflag:$0x4] =	stream.indirect.gather [hbm4b:s2+s16], $0x80, s4, s16, $0xb8;
	[tilespmem:$0x1F400] =	vst v63  }
0x69: {  	_ =	swait.ge [sflag:s25], $0x6400  }
0x6a: {  	[sflag:s25] =	ssyncset.done $0x0  }
0x6b: {  	s4 =	sadd.s32 $0x1900, s20;
	[sflag:s25] =	ssyncadd.s32 $0xFFFF9C00  }
0x6c: {  	[hbm4b:s4+s3] =	stream.linear.scatter [tilespmem:s21], [sflag:$0x7], $0x6400, $0x38;
	[tilespmem:$0x1F400] =	vst v63  }
0x6d: {  	_ =	swait.ge [sflag:s26], $0x6400  }
0x6e: {  	[sflag:s26] =	ssyncset.done $0x0  }
0x6f: {  	s4 =	sadd.s32 $0x640, s23;
	[sflag:s26] =	ssyncadd.s32 $0xFFFF9C00  }
0x70: {  	[tilespmem:s17], [sflag:$0x1] =	stream.indirect.gather [hbm4b:s2+s16], $0x80, s4, s16, $0xb8;
	[tilespmem:$0x1F400] =	vst v63  }
0x71: {  	_ =	swait.ge [sflag:s29], $0x6400  }
0x72: {  	[sflag:s29] =	ssyncset.done $0x0  }
.Ltmp0:
0x73: {  	s4 =	sadd.s32 $0x2580, s20;
	[sflag:s29] =	ssyncadd.s32 $0xFFFF9C00;
	(pc) =	sbr.rel @p0 .LBB2_2-.Ltmp0, $4  }
0x74: {  	[hbm4b:s4+s3] =	stream.linear.scatter [tilespmem:s24], [sflag:$0x8], $0x6400, $0x38;
	[tilespmem:$0x1F400] =	vst v63  }
0x75: {  	_ =	swait.ge [sflag:s30], $0x6400  }
0x76: {  	[sflag:s30] =	ssyncset.done $0x0  }
0x77: {  	s23 =	sadd.s32 $0x708, s23;
	s20 =	sadd.s32 $0x3200, s20;
	[sflag:s30] =	ssyncadd.s32 $0xFFFF9C00  }
0x78: {  	[tilespmem:s18], [sflag:$0x2] =	stream.indirect.gather [hbm4b:s2+s16], $0x80, s23, s16, $0xb8;
	[tilespmem:$0x1F400] =	vst v63  }
0x79: {  	_ =	swait.ge [sflag:s19], $0x6400  }
0x7a: {  	[sflag:s19] =	ssyncset.done $0x0  }
0x7b: {  	[sflag:s19] =	ssyncadd.s32 $0xFFFF9C00  }
0x7c: {  	[hbm4b:s9+s3] =	stream.linear.scatter [tilespmem:s17], [sflag:$0x5], $0x6400, $0x38;
	[tilespmem:$0x1F400] =	vst v63  }
0x7d: {  	_ =	swait.ge [sflag:s1], $0x6400  }
0x7e: {  	[sflag:s1] =	ssyncset.done $0x0  }
0x7f: {  	s4 =	simm.s32 $0x6270;
	[sflag:s1] =	ssyncadd.s32 $0xFFFF9C00  }
0x80: {  	[tilespmem:s21], [sflag:$0x3] =	stream.indirect.gather [hbm4b:s2+s16], $0x80, s4, s16, $0xb8;
	[tilespmem:$0x1F400] =	vst v63  }
0x81: {  	_ =	swait.ge [sflag:s22], $0x6400  }
0x82: {  	[sflag:s22] =	ssyncset.done $0x0  }
0x83: {  	[sflag:s22] =	ssyncadd.s32 $0xFFFF9C00  }
0x84: {  	[hbm4b:s10+s3] =	stream.linear.scatter [tilespmem:s18], [sflag:$0x6], $0x6400, $0x38;
	[tilespmem:$0x1F400] =	vst v63  }
0x85: {  	_ =	swait.ge [sflag:s0], $0x6400  }
0x86: {  	[sflag:s0] =	ssyncset.done $0x0  }
0x87: {  	s31 =	simm.s32 $0x6338;
	[sflag:s0] =	ssyncadd.s32 $0xFFFF9C00  }
0x88: {  	[tilespmem:s24], [sflag:$0x4] =	stream.indirect.gather [hbm4b:s2+s16], $0x80, s31, s16, $0xb8;
	[tilespmem:$0x1F400] =	vst v63  }
0x89: {  	_ =	swait.ge [sflag:s25], $0x6400  }
0x8a: {  	[sflag:s25] =	ssyncset.done $0x0  }
0x8b: {  	[sflag:s25] =	ssyncadd.s32 $0xFFFF9C00  }
0x8c: {  	[hbm4b:s11+s3] =	stream.linear.scatter [tilespmem:s21], [sflag:$0x7], $0x6400, $0x38;
	[tilespmem:$0x1F400] =	vst v63  }
0x8d: {  	_ =	swait.ge [sflag:s29], $0x6400  }
0x8e: {  	[sflag:s29] =	ssyncset.done $0x0  }
0x8f: {  	[sflag:s29] =	ssyncadd.s32 $0xFFFF9C00  }
0x90: {  	[hbm4b:s12+s3] =	stream.linear.scatter [tilespmem:s24], [sflag:$0x8], $0x6400, $0x38;
	[tilespmem:$0x1F400] =	vst v63  }
0x91: {  	_ =	swait.ge [sflag:s26], $0x6400  }
0x92: {  	[sflag:s26] =	ssyncset.done $0x0  }
0x93: {  	[sflag:s26] =	ssyncadd.s32 $0xFFFF9C00  }
0x94: {  	_ =	swait.ge [sflag:s30], $0x6400  }
0x95: {  	[sflag:s30] =	ssyncset.done $0x0  }
0x96: {  	s28 =	sadd.s32 $0x1, s28;
	[sflag:s30] =	ssyncadd.s32 $0xFFFF9C00  }
0x97: {  	p0 =	sne.s32 s28, s13;
	_ =	swait.ge [sflag:s1], $0x6400  }
.Ltmp1:
0x98: {  	[sflag:s1] =	ssyncset.done $0x0;
	(pc) =	sbr.rel @p0 .LBB2_1-.Ltmp1, $4  }
0x99: {  	[sflag:s1] =	ssyncadd.s32 $0xFFFF9C00  }
0x9a: {  	_ =	swait.ge [sflag:s0], $0x6400  }
0x9b: {  	[sflag:s0] =	ssyncset.done $0x0  }
0x9c: {  	[sflag:s0] =	ssyncadd.s32 $0xFFFF9C00  }
0x9d: {  	_ =	sfence.sel $0x180000  }
0x9e: {  	[bflag:$0x0] =	sbarrier.arrive $0xFFFF  }
0x9f: {  	_ =	strace $0x90000047  }
0xa0: {  	s0 =	stileid.u32;
	[bflag:$0x2] =	sbarrier.arrive $0xFFFF  }
0xa1: {  	p0 =	sne.s32 s0, $0x0;
	s0 =	rddreg [dreg:$0x3]  }
0xa2: {  	s0 =	sadd.s32 @!p0 $0x100000, s0  }
0xa3: {  	[sflag:s0] =	ssyncadd.tile.s32 @!p0 $0x1;
	_ =	shalt  }
.Lfunc_end2:
_tile_overlayer_lowered:
.L_overlay_start_2:
0xa4: {  	(tag) =	ssettag $0x2  }
0xa5: {  	s0 =	rddreg [dreg:$0x0];
	s2 =	stileid.u32  }
0xa6: {  	s1 =	rddreg [dreg:$0x1];
	p0 =	sne.s32 s2, $0x0  }
0xa7: {  	s3 =	rddreg [dreg:$0x2];
	[bflag:$0x3] =	sbarrier.arrive $0xFFFF;
	s2 =	simm.s32 @!p0 $0x1C09  }
0xa8: {  	[timem:s3], [sflag:s2] =	dma.local @!p0 [hbm:s0], s1  }
0xa9: {  	s0 =	simm.s32 @!p0 $0x9  }
0xaa: {  	_ =	swait.ge @!p0 [sflag:s0], s1  }
0xab: {  	s1 =	ssub.s32 @!p0 $0x0, s1;
	[sflag:s0] =	ssyncset.done @!p0 $0x0  }
0xac: {  	[sflag:s0] =	ssyncadd.s32 @!p0 s1  }
0xad: {  	[bflag:$0x3] =	sbarrier.arrive $0xFFFF  }
0xae: {  	_ =	shalt  }

</sc_bundles>
